<compile_context>
chip_gen: v7x
topology: tpu7x:2x2x1
jax: 0.10.2.dev20260603
libtpu: 0.0.44.dev20260713+nightly
codegen_flags: <defaults>
</compile_context>

<pallas_src>
import jax
import jax.numpy as jnp
from jax import lax
from jax.experimental import pallas as pl
from jax.experimental.pallas import tpu as pltpu
from jax.experimental.pallas import tpu_sc as plsc

_WAY = 64
_NC = 2
_NS = 16
_NW = _NC * _NS
_CHUNK = 128
_NBUF = 6
_N_SC = 32768


def _sc_segment_body(ctx_hbm, lbl_hbm, sum_out,
                     rows_v, idx_v, zs_v, acc_s, ld_sems, st_sems):
    cid = lax.axis_index("c")
    sid = lax.axis_index("s")
    wid = sid * _NC + cid
    rows_per_w = _N_SC // _NW
    nchunks = rows_per_w // _CHUNK
    stripe = _WAY // _NS

    def start_load(k):
        base = wid * rows_per_w + k * _CHUNK
        b = k % _NBUF
        return (
            pltpu.async_copy(lbl_hbm.at[pl.ds(base, _CHUNK)], idx_v.at[b],
                             ld_sems.at[b]),
            pltpu.async_copy(ctx_hbm.at[pl.ds(base, _CHUNK), :], rows_v.at[b],
                             ld_sems.at[b]),
        )

    loads = {}
    for k in range(min(_NBUF, nchunks)):
        loads[k] = start_load(k)

    zrow = jnp.zeros((16,), jnp.float32)

    def zfill(i, _):
        for j in range(8):
            zs_v[i, pl.ds(j * 16, 16)] = zrow
        return 0

    lax.fori_loop(0, stripe, zfill, 0)

    pltpu.sync_copy(zs_v, acc_s.at[pl.ds(sid * stripe, stripe), :])
    plsc.subcore_barrier()

    scats = {}
    for k in range(nchunks):
        b = k % _NBUF
        if k >= 2 and (k - 2) in scats:
            scats.pop(k - 2).wait()
        nxt = k + _NBUF - 2
        if nxt < nchunks and nxt >= _NBUF:
            loads[nxt] = start_load(nxt)
        for d in loads.pop(k):
            d.wait()
        scats[k] = pltpu.async_copy(rows_v.at[b], acc_s.at[idx_v.at[b]],
                                    st_sems.at[b], add=True)
    for k in sorted(scats):
        scats.pop(k).wait()

    plsc.subcore_barrier()

    @pl.when(sid == 0)
    def _writeout():
        pltpu.sync_copy(acc_s, sum_out.at[cid])


def _tc_cnt_body(lbl_ref, cnt_out_ref, acc):
    j = pl.program_id(0)
    nb = pl.num_programs(0)
    nr, _, cb = lbl_ref.shape
    pcnt = jnp.zeros((1, _WAY), jnp.float32)
    for r in range(nr):
        lbl = lbl_ref[r, 0, :]
        one_hot = jnp.where(
            lbl[:, None] == lax.broadcasted_iota(jnp.int32, (cb, _WAY), 1),
            1.0, 0.0)
        pcnt += jnp.sum(one_hot, axis=0, keepdims=True)

    @pl.when(j == 0)
    def _init():
        acc[...] = pcnt

    @pl.when(j > 0)
    def _accum():
        acc[...] += pcnt

    @pl.when(j == nb - 1)
    def _out():
        cnt_out_ref[...] = acc[...]


def _tc_dist_body(sums_ref, cnt_ref, tgt_ref, out_ref):
    sums = sums_ref[0] + sums_ref[1]
    cnt = cnt_ref[0]
    protos = sums / cnt[:, None]
    t = tgt_ref[...]
    dot = lax.dot_general(protos, t, (((1,), (1,)), ((), ())),
                          preferred_element_type=jnp.float32)
    t2 = jnp.sum(t * t, axis=1)
    p2 = jnp.sum(protos * protos, axis=1)
    out_ref[...] = 2.0 * dot - t2[None, :] - p2[:, None]


def _sc_segment(context_features, labels):
    d = context_features.shape[1]
    mesh = plsc.VectorSubcoreMesh(core_axis_name="c", subcore_axis_name="s",
                                  num_cores=_NC, num_subcores=_NS)
    sc_fn = pl.kernel(
        _sc_segment_body,
        out_type=jax.ShapeDtypeStruct((_NC, _WAY, d), jnp.float32),
        mesh=mesh,
        scratch_types=[
            pltpu.VMEM((_NBUF, _CHUNK, d), jnp.float32),
            pltpu.VMEM((_NBUF, _CHUNK), jnp.int32),
            pltpu.VMEM((_WAY // _NS, d), jnp.float32),
            pltpu.VMEM_SHARED((_WAY, d), jnp.float32),
            pltpu.SemaphoreType.DMA((_NBUF,)),
            pltpu.SemaphoreType.DMA((_NBUF,)),
        ],
    )
    return sc_fn(context_features, labels)


@jax.jit
def kernel(context_features, context_labels, target_features):
    n, d = context_features.shape
    nt = target_features.shape[0]
    labels = context_labels.astype(jnp.int32)

    sums = _sc_segment(context_features, labels)

    cb = 1024
    lbl3 = labels.reshape(n // cb, 1, cb)
    lb = 4
    cnt = pl.pallas_call(
        _tc_cnt_body,
        grid=(n // (lb * cb),),
        in_specs=[pl.BlockSpec((lb, 1, cb), lambda j: (j, 0, 0))],
        out_specs=pl.BlockSpec((1, _WAY), lambda j: (0, 0)),
        out_shape=jax.ShapeDtypeStruct((1, _WAY), jnp.float32),
        scratch_shapes=[pltpu.VMEM((1, _WAY), jnp.float32)],
    )(lbl3)

    tb = 1024
    logits_t = pl.pallas_call(
        _tc_dist_body,
        grid=(nt // tb,),
        in_specs=[
            pl.BlockSpec((_NC, _WAY, d), lambda i: (0, 0, 0)),
            pl.BlockSpec((1, _WAY), lambda i: (0, 0)),
            pl.BlockSpec((tb, d), lambda i: (i, 0)),
        ],
        out_specs=pl.BlockSpec((_WAY, tb), lambda i: (0, i)),
        out_shape=jax.ShapeDtypeStruct((_WAY, nt), jnp.float32),
    )(sums, cnt, target_features)
    return logits_t.T

# --- scband reference (transcript-rebuilt; emitter-appended) ---
"""Pipeline reference for scband-proto-nets-7825430414041 (READ-ONLY COPY).

The authoritative reference and input builder live on the scoring server;
editing this copy changes nothing except your own understanding.
"""

import jax, jax.numpy as jnp
import numpy as np

WAY = 64
N_CONTEXT = 32768
N_TARGET = 8192
D_FEAT = 128


def setup_inputs(seed: int = 0) -> dict:
    key = jax.random.key(seed)
    k1, k2, k3 = jax.random.split(key, 3)
    context_features = jax.random.normal(k1, (N_CONTEXT, D_FEAT), dtype=jnp.float32)
    context_labels = jax.random.randint(k2, (N_CONTEXT,), 0, WAY, dtype=jnp.int64 if jax.config.jax_enable_x64 else jnp.int32)
    target_features = jax.random.normal(k3, (N_TARGET, D_FEAT), dtype=jnp.float32)
    return {
        "context_features": context_features,
        "context_labels": context_labels,
        "target_features": target_features,
    }


def _compute_prototypes(context_features, context_labels, way):
    # Equivalent to torch loop over torch.unique(labels): per-class mean.
    # With randint labels over [0, way) and N >> way, all classes are present,
    # so unique() == arange(way) and this is a dense segment-mean.
    sums = jax.ops.segment_sum(context_features, context_labels, num_segments=way)
    counts = jax.ops.segment_sum(
        jnp.ones((context_features.shape[0],), dtype=context_features.dtype),
        context_labels,
        num_segments=way,
    )
    return sums / counts[:, None]


def euclidean_metric(target_features, class_prototypes):
    diff = target_features[:, None, :] - class_prototypes[None, :, :]
    distances = jnp.sum(diff * diff, axis=2)
    return -distances


def reference(context_features, context_labels, target_features):
    prototypes = _compute_prototypes(context_features, context_labels, WAY)
    logits = euclidean_metric(target_features, prototypes)
    return logits

if __name__ == "__main__":
    import jax
    _d = setup_inputs()
    print(jax.jit(kernel)(*tuple(_d.values())))

</pallas_src>

<mosaic_0001>
#map = affine_map<(d0, d1) -> (0, 0)>
#map1 = affine_map<(d0, d1) -> (0)>
#map2 = affine_map<(d0, d1) -> (0, 0, 0)>
module attributes {stable_mosaic.version = 14 : i64} {
  func.func @_sc_segment_body(%arg0: i32, %arg1: i32, %arg2: memref<32768x128xf32, #tpu.memory_space<hbm>>, %arg3: memref<32768xi32, #tpu.memory_space<hbm>>, %arg4: memref<2x64x128xf32, #tpu.memory_space<hbm>>, %arg5: memref<6x128x128xf32, #tpu.memory_space<vmem>>, %arg6: memref<6x128xi32, #tpu.memory_space<vmem>>, %arg7: memref<4x128xf32, #tpu.memory_space<vmem>>, %arg8: memref<64x128xf32, #tpu.memory_space<vmem_shared>>, %arg9: memref<6x!tpu.dma_semaphore, #tpu.memory_space<semaphore_mem>>, %arg10: memref<6x!tpu.dma_semaphore, #tpu.memory_space<semaphore_mem>>) attributes {dimension_semantics = [#tpu.dimension_semantics<core_parallel>, #tpu.dimension_semantics<subcore_parallel>], iteration_bounds = array<i64: 2, 16>, scalar_prefetch = 0 : i64, scratch_operands = 6 : i64, tpu.core_type = #tpu.core_type<sc_vector_subcore>, window_params = [{transform_indices = #map}, {transform_indices = #map1}, {transform_indices = #map2}]} {
    %mul3A = arith.constant 2 : i32
    %mul3A_0 = arith.muli %arg1, %mul3A : i32
    %add3A = arith.addi %mul3A_0, %arg0 : i32
    %mul3A_1 = arith.constant 1024 : i32
    %mul3A_2 = arith.muli %add3A, %mul3A_1 : i32
    %add3A_3 = arith.constant 0 : i32
    %add3A_4 = arith.addi %mul3A_2, %add3A_3 : i32
    %dma_start3A = arith.constant 0 : i32
    %dma_start3A_5 = arith.constant 0 : i32
    %dma_start3A_6 = arith.constant 0 : i32
    %dma_start3A_7 = tpu.memref_slice %arg6[%dma_start3A, %dma_start3A_6] : memref<6x128xi32, #tpu.memory_space<vmem>> -> memref<1x128xi32, #tpu.memory_space<vmem>>
    %dma_start3A_8 = tpu.memref_squeeze %dma_start3A_7 : memref<1x128xi32, #tpu.memory_space<vmem>> -> memref<128xi32, #tpu.memory_space<vmem>>
    %dma_start3A_9 = tpu.memref_slice %arg3[%add3A_4] : memref<32768xi32, #tpu.memory_space<hbm>> -> memref<128xi32, #tpu.memory_space<hbm>>
    %dma_start3A_10 = tpu.memref_slice %arg9[%dma_start3A_5] : memref<6x!tpu.dma_semaphore, #tpu.memory_space<semaphore_mem>> -> memref<1x!tpu.dma_semaphore, #tpu.memory_space<semaphore_mem>>
    %dma_start3A_11 = tpu.memref_squeeze %dma_start3A_10 : memref<1x!tpu.dma_semaphore, #tpu.memory_space<semaphore_mem>> -> memref<!tpu.dma_semaphore, #tpu.memory_space<semaphore_mem>>
    %dma_start3A_12 = arith.constant 0 : i32
    %dma_start3A_13 = tpu.memref_slice %arg6[%dma_start3A, %dma_start3A_12] : memref<6x128xi32, #tpu.memory_space<vmem>> -> memref<1x128xi32, #tpu.memory_space<vmem>>
    %dma_start3A_14 = tpu.memref_squeeze %dma_start3A_13 : memref<1x128xi32, #tpu.memory_space<vmem>> -> memref<128xi32, #tpu.memory_space<vmem>>
    %dma_start3A_15 = tpu.memref_slice %arg3[%add3A_4] : memref<32768xi32, #tpu.memory_space<hbm>> -> memref<128xi32, #tpu.memory_space<hbm>>
    tpu.enqueue_dma source(%dma_start3A_15 : memref<128xi32, #tpu.memory_space<hbm>>) target(%dma_start3A_14 : memref<128xi32, #tpu.memory_space<vmem>>) target_semaphore(%dma_start3A_11 : memref<!tpu.dma_semaphore, #tpu.memory_space<semaphore_mem>>)
    %dma_start3A_16 = arith.constant 0 : i32
    %dma_start3A_17 = arith.constant 0 : i32
    %dma_start3A_18 = arith.constant 0 : i32
    %dma_start3A_19 = arith.constant 0 : i32
    %dma_start3A_20 = tpu.memref_slice %arg5[%dma_start3A_16, %dma_start3A_18, %dma_start3A_19] : memref<6x128x128xf32, #tpu.memory_space<vmem>> -> memref<1x128x128xf32, #tpu.memory_space<vmem>>
    %dma_start3A_21 = tpu.memref_squeeze %dma_start3A_20 : memref<1x128x128xf32, #tpu.memory_space<vmem>> -> memref<128x128xf32, #tpu.memory_space<vmem>>
    %dma_start3A_22 = arith.constant 0 : i32
    %dma_start3A_23 = tpu.memref_slice %arg2[%add3A_4, %dma_start3A_22] : memref<32768x128xf32, #tpu.memory_space<hbm>> -> memref<128x128xf32, #tpu.memory_space<hbm>>
    %dma_start3A_24 = tpu.memref_slice %arg9[%dma_start3A_17] : memref<6x!tpu.dma_semaphore, #tpu.memory_space<semaphore_mem>> -> memref<1x!tpu.dma_semaphore, #tpu.memory_space<semaphore_mem>>
    %dma_start3A_25 = tpu.memref_squeeze %dma_start3A_24 : memref<1x!tpu.dma_semaphore, #tpu.memory_space<semaphore_mem>> -> memref<!tpu.dma_semaphore, #tpu.memory_space<semaphore_mem>>
    %dma_start3A_26 = arith.constant 0 : i32
    %dma_start3A_27 = arith.constant 0 : i32
    %dma_start3A_28 = tpu.memref_slice %arg5[%dma_start3A_16, %dma_start3A_26, %dma_start3A_27] : memref<6x128x128xf32, #tpu.memory_space<vmem>> -> memref<1x128x128xf32, #tpu.memory_space<vmem>>
    %dma_start3A_29 = tpu.memref_squeeze %dma_start3A_28 : memref<1x128x128xf32, #tpu.memory_space<vmem>> -> memref<128x128xf32, #tpu.memory_space<vmem>>
    %dma_start3A_30 = arith.constant 0 : i32
    %dma_start3A_31 = tpu.memref_slice %arg2[%add3A_4, %dma_start3A_30] : memref<32768x128xf32, #tpu.memory_space<hbm>> -> memref<128x128xf32, #tpu.memory_space<hbm>>
    tpu.enqueue_dma source(%dma_start3A_31 : memref<128x128xf32, #tpu.memory_space<hbm>>) target(%dma_start3A_29 : memref<128x128xf32, #tpu.memory_space<vmem>>) target_semaphore(%dma_start3A_25 : memref<!tpu.dma_semaphore, #tpu.memory_space<semaphore_mem>>)
    %mul3A_32 = arith.constant 1024 : i32
    %mul3A_33 = arith.muli %add3A, %mul3A_32 : i32
    %add3A_34 = arith.constant 128 : i32
    %add3A_35 = arith.addi %mul3A_33, %add3A_34 : i32
    %dma_start3A_36 = arith.constant 1 : i32
    %dma_start3A_37 = arith.constant 1 : i32
    %dma_start3A_38 = arith.constant 0 : i32
    %dma_start3A_39 = tpu.memref_slice %arg6[%dma_start3A_36, %dma_start3A_38] : memref<6x128xi32, #tpu.memory_space<vmem>> -> memref<1x128xi32, #tpu.memory_space<vmem>>
    %dma_start3A_40 = tpu.memref_squeeze %dma_start3A_39 : memref<1x128xi32, #tpu.memory_space<vmem>> -> memref<128xi32, #tpu.memory_space<vmem>>
    %dma_start3A_41 = tpu.memref_slice %arg3[%add3A_35] : memref<32768xi32, #tpu.memory_space<hbm>> -> memref<128xi32, #tpu.memory_space<hbm>>
    %dma_start3A_42 = tpu.memref_slice %arg9[%dma_start3A_37] : memref<6x!tpu.dma_semaphore, #tpu.memory_space<semaphore_mem>> -> memref<1x!tpu.dma_semaphore, #tpu.memory_space<semaphore_mem>>
    %dma_start3A_43 = tpu.memref_squeeze %dma_start3A_42 : memref<1x!tpu.dma_semaphore, #tpu.memory_space<semaphore_mem>> -> memref<!tpu.dma_semaphore, #tpu.memory_space<semaphore_mem>>
    %dma_start3A_44 = arith.constant 0 : i32
    %dma_start3A_45 = tpu.memref_slice %arg6[%dma_start3A_36, %dma_start3A_44] : memref<6x128xi32, #tpu.memory_space<vmem>> -> memref<1x128xi32, #tpu.memory_space<vmem>>
    %dma_start3A_46 = tpu.memref_squeeze %dma_start3A_45 : memref<1x128xi32, #tpu.memory_space<vmem>> -> memref<128xi32, #tpu.memory_space<vmem>>
    %dma_start3A_47 = tpu.memref_slice %arg3[%add3A_35] : memref<32768xi32, #tpu.memory_space<hbm>> -> memref<128xi32, #tpu.memory_space<hbm>>
    tpu.enqueue_dma source(%dma_start3A_47 : memref<128xi32, #tpu.memory_space<hbm>>) target(%dma_start3A_46 : memref<128xi32, #tpu.memory_space<vmem>>) target_semaphore(%dma_start3A_43 : memref<!tpu.dma_semaphore, #tpu.memory_space<semaphore_mem>>)
    %dma_start3A_48 = arith.constant 1 : i32
    %dma_start3A_49 = arith.constant 1 : i32
    %dma_start3A_50 = arith.constant 0 : i32
    %dma_start3A_51 = arith.constant 0 : i32
    %dma_start3A_52 = tpu.memref_slice %arg5[%dma_start3A_48, %dma_start3A_50, %dma_start3A_51] : memref<6x128x128xf32, #tpu.memory_space<vmem>> -> memref<1x128x128xf32, #tpu.memory_space<vmem>>
    %dma_start3A_53 = tpu.memref_squeeze %dma_start3A_52 : memref<1x128x128xf32, #tpu.memory_space<vmem>> -> memref<128x128xf32, #tpu.memory_space<vmem>>
    %dma_start3A_54 = arith.constant 0 : i32
    %dma_start3A_55 = tpu.memref_slice %arg2[%add3A_35, %dma_start3A_54] : memref<32768x128xf32, #tpu.memory_space<hbm>> -> memref<128x128xf32, #tpu.memory_space<hbm>>
    %dma_start3A_56 = tpu.memref_slice %arg9[%dma_start3A_49] : memref<6x!tpu.dma_semaphore, #tpu.memory_space<semaphore_mem>> -> memref<1x!tpu.dma_semaphore, #tpu.memory_space<semaphore_mem>>
    %dma_start3A_57 = tpu.memref_squeeze %dma_start3A_56 : memref<1x!tpu.dma_semaphore, #tpu.memory_space<semaphore_mem>> -> memref<!tpu.dma_semaphore, #tpu.memory_space<semaphore_mem>>
    %dma_start3A_58 = arith.constant 0 : i32
    %dma_start3A_59 = arith.constant 0 : i32
    %dma_start3A_60 = tpu.memref_slice %arg5[%dma_start3A_48, %dma_start3A_58, %dma_start3A_59] : memref<6x128x128xf32, #tpu.memory_space<vmem>> -> memref<1x128x128xf32, #tpu.memory_space<vmem>>
    %dma_start3A_61 = tpu.memref_squeeze %dma_start3A_60 : memref<1x128x128xf32, #tpu.memory_space<vmem>> -> memref<128x128xf32, #tpu.memory_space<vmem>>
    %dma_start3A_62 = arith.constant 0 : i32
    %dma_start3A_63 = tpu.memref_slice %arg2[%add3A_35, %dma_start3A_62] : memref<32768x128xf32, #tpu.memory_space<hbm>> -> memref<128x128xf32, #tpu.memory_space<hbm>>
    tpu.enqueue_dma source(%dma_start3A_63 : memref<128x128xf32, #tpu.memory_space<hbm>>) target(%dma_start3A_61 : memref<128x128xf32, #tpu.memory_space<vmem>>) target_semaphore(%dma_start3A_57 : memref<!tpu.dma_semaphore, #tpu.memory_space<semaphore_mem>>)
    %mul3A_64 = arith.constant 1024 : i32
    %mul3A_65 = arith.muli %add3A, %mul3A_64 : i32
    %add3A_66 = arith.constant 256 : i32
    %add3A_67 = arith.addi %mul3A_65, %add3A_66 : i32
    %dma_start3A_68 = arith.constant 2 : i32
    %dma_start3A_69 = arith.constant 2 : i32
    %dma_start3A_70 = arith.constant 0 : i32
    %dma_start3A_71 = tpu.memref_slice %arg6[%dma_start3A_68, %dma_start3A_70] : memref<6x128xi32, #tpu.memory_space<vmem>> -> memref<1x128xi32, #tpu.memory_space<vmem>>
    %dma_start3A_72 = tpu.memref_squeeze %dma_start3A_71 : memref<1x128xi32, #tpu.memory_space<vmem>> -> memref<128xi32, #tpu.memory_space<vmem>>
    %dma_start3A_73 = tpu.memref_slice %arg3[%add3A_67] : memref<32768xi32, #tpu.memory_space<hbm>> -> memref<128xi32, #tpu.memory_space<hbm>>
    %dma_start3A_74 = tpu.memref_slice %arg9[%dma_start3A_69] : memref<6x!tpu.dma_semaphore, #tpu.memory_space<semaphore_mem>> -> memref<1x!tpu.dma_semaphore, #tpu.memory_space<semaphore_mem>>
    %dma_start3A_75 = tpu.memref_squeeze %dma_start3A_74 : memref<1x!tpu.dma_semaphore, #tpu.memory_space<semaphore_mem>> -> memref<!tpu.dma_semaphore, #tpu.memory_space<semaphore_mem>>
    %dma_start3A_76 = arith.constant 0 : i32
    %dma_start3A_77 = tpu.memref_slice %arg6[%dma_start3A_68, %dma_start3A_76] : memref<6x128xi32, #tpu.memory_space<vmem>> -> memref<1x128xi32, #tpu.memory_space<vmem>>
    %dma_start3A_78 = tpu.memref_squeeze %dma_start3A_77 : memref<1x128xi32, #tpu.memory_space<vmem>> -> memref<128xi32, #tpu.memory_space<vmem>>
    %dma_start3A_79 = tpu.memref_slice %arg3[%add3A_67] : memref<32768xi32, #tpu.memory_space<hbm>> -> memref<128xi32, #tpu.memory_space<hbm>>
    tpu.enqueue_dma source(%dma_start3A_79 : memref<128xi32, #tpu.memory_space<hbm>>) target(%dma_start3A_78 : memref<128xi32, #tpu.memory_space<vmem>>) target_semaphore(%dma_start3A_75 : memref<!tpu.dma_semaphore, #tpu.memory_space<semaphore_mem>>)
    %dma_start3A_80 = arith.constant 2 : i32
    %dma_start3A_81 = arith.constant 2 : i32
    %dma_start3A_82 = arith.constant 0 : i32
    %dma_start3A_83 = arith.constant 0 : i32
    %dma_start3A_84 = tpu.memref_slice %arg5[%dma_start3A_80, %dma_start3A_82, %dma_start3A_83] : memref<6x128x128xf32, #tpu.memory_space<vmem>> -> memref<1x128x128xf32, #tpu.memory_space<vmem>>
    %dma_start3A_85 = tpu.memref_squeeze %dma_start3A_84 : memref<1x128x128xf32, #tpu.memory_space<vmem>> -> memref<128x128xf32, #tpu.memory_space<vmem>>
    %dma_start3A_86 = arith.constant 0 : i32
    %dma_start3A_87 = tpu.memref_slice %arg2[%add3A_67, %dma_start3A_86] : memref<32768x128xf32, #tpu.memory_space<hbm>> -> memref<128x128xf32, #tpu.memory_space<hbm>>
    %dma_start3A_88 = tpu.memref_slice %arg9[%dma_start3A_81] : memref<6x!tpu.dma_semaphore, #tpu.memory_space<semaphore_mem>> -> memref<1x!tpu.dma_semaphore, #tpu.memory_space<semaphore_mem>>
    %dma_start3A_89 = tpu.memref_squeeze %dma_start3A_88 : memref<1x!tpu.dma_semaphore, #tpu.memory_space<semaphore_mem>> -> memref<!tpu.dma_semaphore, #tpu.memory_space<semaphore_mem>>
    %dma_start3A_90 = arith.constant 0 : i32
    %dma_start3A_91 = arith.constant 0 : i32
    %dma_start3A_92 = tpu.memref_slice %arg5[%dma_start3A_80, %dma_start3A_90, %dma_start3A_91] : memref<6x128x128xf32, #tpu.memory_space<vmem>> -> memref<1x128x128xf32, #tpu.memory_space<vmem>>
    %dma_start3A_93 = tpu.memref_squeeze %dma_start3A_92 : memref<1x128x128xf32, #tpu.memory_space<vmem>> -> memref<128x128xf32, #tpu.memory_space<vmem>>
    %dma_start3A_94 = arith.constant 0 : i32
    %dma_start3A_95 = tpu.memref_slice %arg2[%add3A_67, %dma_start3A_94] : memref<32768x128xf32, #tpu.memory_space<hbm>> -> memref<128x128xf32, #tpu.memory_space<hbm>>
    tpu.enqueue_dma source(%dma_start3A_95 : memref<128x128xf32, #tpu.memory_space<hbm>>) target(%dma_start3A_93 : memref<128x128xf32, #tpu.memory_space<vmem>>) target_semaphore(%dma_start3A_89 : memref<!tpu.dma_semaphore, #tpu.memory_space<semaphore_mem>>)
    %mul3A_96 = arith.constant 1024 : i32
    %mul3A_97 = arith.muli %add3A, %mul3A_96 : i32
    %add3A_98 = arith.constant 384 : i32
    %add3A_99 = arith.addi %mul3A_97, %add3A_98 : i32
    %dma_start3A_100 = arith.constant 3 : i32
    %dma_start3A_101 = arith.constant 3 : i32
    %dma_start3A_102 = arith.constant 0 : i32
    %dma_start3A_103 = tpu.memref_slice %arg6[%dma_start3A_100, %dma_start3A_102] : memref<6x128xi32, #tpu.memory_space<vmem>> -> memref<1x128xi32, #tpu.memory_space<vmem>>
    %dma_start3A_104 = tpu.memref_squeeze %dma_start3A_103 : memref<1x128xi32, #tpu.memory_space<vmem>> -> memref<128xi32, #tpu.memory_space<vmem>>
    %dma_start3A_105 = tpu.memref_slice %arg3[%add3A_99] : memref<32768xi32, #tpu.memory_space<hbm>> -> memref<128xi32, #tpu.memory_space<hbm>>
    %dma_start3A_106 = tpu.memref_slice %arg9[%dma_start3A_101] : memref<6x!tpu.dma_semaphore, #tpu.memory_space<semaphore_mem>> -> memref<1x!tpu.dma_semaphore, #tpu.memory_space<semaphore_mem>>
    %dma_start3A_107 = tpu.memref_squeeze %dma_start3A_106 : memref<1x!tpu.dma_semaphore, #tpu.memory_space<semaphore_mem>> -> memref<!tpu.dma_semaphore, #tpu.memory_space<semaphore_mem>>
    %dma_start3A_108 = arith.constant 0 : i32
    %dma_start3A_109 = tpu.memref_slice %arg6[%dma_start3A_100, %dma_start3A_108] : memref<6x128xi32, #tpu.memory_space<vmem>> -> memref<1x128xi32, #tpu.memory_space<vmem>>
    %dma_start3A_110 = tpu.memref_squeeze %dma_start3A_109 : memref<1x128xi32, #tpu.memory_space<vmem>> -> memref<128xi32, #tpu.memory_space<vmem>>
    %dma_start3A_111 = tpu.memref_slice %arg3[%add3A_99] : memref<32768xi32, #tpu.memory_space<hbm>> -> memref<128xi32, #tpu.memory_space<hbm>>
    tpu.enqueue_dma source(%dma_start3A_111 : memref<128xi32, #tpu.memory_space<hbm>>) target(%dma_start3A_110 : memref<128xi32, #tpu.memory_space<vmem>>) target_semaphore(%dma_start3A_107 : memref<!tpu.dma_semaphore, #tpu.memory_space<semaphore_mem>>)
    %dma_start3A_112 = arith.constant 3 : i32
    %dma_start3A_113 = arith.constant 3 : i32
    %dma_start3A_114 = arith.constant 0 : i32
    %dma_start3A_115 = arith.constant 0 : i32
    %dma_start3A_116 = tpu.memref_slice %arg5[%dma_start3A_112, %dma_start3A_114, %dma_start3A_115] : memref<6x128x128xf32, #tpu.memory_space<vmem>> -> memref<1x128x128xf32, #tpu.memory_space<vmem>>
    %dma_start3A_117 = tpu.memref_squeeze %dma_start3A_116 : memref<1x128x128xf32, #tpu.memory_space<vmem>> -> memref<128x128xf32, #tpu.memory_space<vmem>>
    %dma_start3A_118 = arith.constant 0 : i32
    %dma_start3A_119 = tpu.memref_slice %arg2[%add3A_99, %dma_start3A_118] : memref<32768x128xf32, #tpu.memory_space<hbm>> -> memref<128x128xf32, #tpu.memory_space<hbm>>
    %dma_start3A_120 = tpu.memref_slice %arg9[%dma_start3A_113] : memref<6x!tpu.dma_semaphore, #tpu.memory_space<semaphore_mem>> -> memref<1x!tpu.dma_semaphore, #tpu.memory_space<semaphore_mem>>
    %dma_start3A_121 = tpu.memref_squeeze %dma_start3A_120 : memref<1x!tpu.dma_semaphore, #tpu.memory_space<semaphore_mem>> -> memref<!tpu.dma_semaphore, #tpu.memory_space<semaphore_mem>>
    %dma_start3A_122 = arith.constant 0 : i32
    %dma_start3A_123 = arith.constant 0 : i32
    %dma_start3A_124 = tpu.memref_slice %arg5[%dma_start3A_112, %dma_start3A_122, %dma_start3A_123] : memref<6x128x128xf32, #tpu.memory_space<vmem>> -> memref<1x128x128xf32, #tpu.memory_space<vmem>>
    %dma_start3A_125 = tpu.memref_squeeze %dma_start3A_124 : memref<1x128x128xf32, #tpu.memory_space<vmem>> -> memref<128x128xf32, #tpu.memory_space<vmem>>
    %dma_start3A_126 = arith.constant 0 : i32
    %dma_start3A_127 = tpu.memref_slice %arg2[%add3A_99, %dma_start3A_126] : memref<32768x128xf32, #tpu.memory_space<hbm>> -> memref<128x128xf32, #tpu.memory_space<hbm>>
    tpu.enqueue_dma source(%dma_start3A_127 : memref<128x128xf32, #tpu.memory_space<hbm>>) target(%dma_start3A_125 : memref<128x128xf32, #tpu.memory_space<vmem>>) target_semaphore(%dma_start3A_121 : memref<!tpu.dma_semaphore, #tpu.memory_space<semaphore_mem>>)
    %mul3A_128 = arith.constant 1024 : i32
    %mul3A_129 = arith.muli %add3A, %mul3A_128 : i32
    %add3A_130 = arith.constant 512 : i32
    %add3A_131 = arith.addi %mul3A_129, %add3A_130 : i32
    %dma_start3A_132 = arith.constant 4 : i32
    %dma_start3A_133 = arith.constant 4 : i32
    %dma_start3A_134 = arith.constant 0 : i32
    %dma_start3A_135 = tpu.memref_slice %arg6[%dma_start3A_132, %dma_start3A_134] : memref<6x128xi32, #tpu.memory_space<vmem>> -> memref<1x128xi32, #tpu.memory_space<vmem>>
    %dma_start3A_136 = tpu.memref_squeeze %dma_start3A_135 : memref<1x128xi32, #tpu.memory_space<vmem>> -> memref<128xi32, #tpu.memory_space<vmem>>
    %dma_start3A_137 = tpu.memref_slice %arg3[%add3A_131] : memref<32768xi32, #tpu.memory_space<hbm>> -> memref<128xi32, #tpu.memory_space<hbm>>
    %dma_start3A_138 = tpu.memref_slice %arg9[%dma_start3A_133] : memref<6x!tpu.dma_semaphore, #tpu.memory_space<semaphore_mem>> -> memref<1x!tpu.dma_semaphore, #tpu.memory_space<semaphore_mem>>
    %dma_start3A_139 = tpu.memref_squeeze %dma_start3A_138 : memref<1x!tpu.dma_semaphore, #tpu.memory_space<semaphore_mem>> -> memref<!tpu.dma_semaphore, #tpu.memory_space<semaphore_mem>>
    %dma_start3A_140 = arith.constant 0 : i32
    %dma_start3A_141 = tpu.memref_slice %arg6[%dma_start3A_132, %dma_start3A_140] : memref<6x128xi32, #tpu.memory_space<vmem>> -> memref<1x128xi32, #tpu.memory_space<vmem>>
    %dma_start3A_142 = tpu.memref_squeeze %dma_start3A_141 : memref<1x128xi32, #tpu.memory_space<vmem>> -> memref<128xi32, #tpu.memory_space<vmem>>
    %dma_start3A_143 = tpu.memref_slice %arg3[%add3A_131] : memref<32768xi32, #tpu.memory_space<hbm>> -> memref<128xi32, #tpu.memory_space<hbm>>
    tpu.enqueue_dma source(%dma_start3A_143 : memref<128xi32, #tpu.memory_space<hbm>>) target(%dma_start3A_142 : memref<128xi32, #tpu.memory_space<vmem>>) target_semaphore(%dma_start3A_139 : memref<!tpu.dma_semaphore, #tpu.memory_space<semaphore_mem>>)
    %dma_start3A_144 = arith.constant 4 : i32
    %dma_start3A_145 = arith.constant 4 : i32
    %dma_start3A_146 = arith.constant 0 : i32
    %dma_start3A_147 = arith.constant 0 : i32
    %dma_start3A_148 = tpu.memref_slice %arg5[%dma_start3A_144, %dma_start3A_146, %dma_start3A_147] : memref<6x128x128xf32, #tpu.memory_space<vmem>> -> memref<1x128x128xf32, #tpu.memory_space<vmem>>
    %dma_start3A_149 = tpu.memref_squeeze %dma_start3A_148 : memref<1x128x128xf32, #tpu.memory_space<vmem>> -> memref<128x128xf32, #tpu.memory_space<vmem>>
    %dma_start3A_150 = arith.constant 0 : i32
    %dma_start3A_151 = tpu.memref_slice %arg2[%add3A_131, %dma_start3A_150] : memref<32768x128xf32, #tpu.memory_space<hbm>> -> memref<128x128xf32, #tpu.memory_space<hbm>>
    %dma_start3A_152 = tpu.memref_slice %arg9[%dma_start3A_145] : memref<6x!tpu.dma_semaphore, #tpu.memory_space<semaphore_mem>> -> memref<1x!tpu.dma_semaphore, #tpu.memory_space<semaphore_mem>>
    %dma_start3A_153 = tpu.memref_squeeze %dma_start3A_152 : memref<1x!tpu.dma_semaphore, #tpu.memory_space<semaphore_mem>> -> memref<!tpu.dma_semaphore, #tpu.memory_space<semaphore_mem>>
    %dma_start3A_154 = arith.constant 0 : i32
    %dma_start3A_155 = arith.constant 0 : i32
    %dma_start3A_156 = tpu.memref_slice %arg5[%dma_start3A_144, %dma_start3A_154, %dma_start3A_155] : memref<6x128x128xf32, #tpu.memory_space<vmem>> -> memref<1x128x128xf32, #tpu.memory_space<vmem>>
    %dma_start3A_157 = tpu.memref_squeeze %dma_start3A_156 : memref<1x128x128xf32, #tpu.memory_space<vmem>> -> memref<128x128xf32, #tpu.memory_space<vmem>>
    %dma_start3A_158 = arith.constant 0 : i32
    %dma_start3A_159 = tpu.memref_slice %arg2[%add3A_131, %dma_start3A_158] : memref<32768x128xf32, #tpu.memory_space<hbm>> -> memref<128x128xf32, #tpu.memory_space<hbm>>
    tpu.enqueue_dma source(%dma_start3A_159 : memref<128x128xf32, #tpu.memory_space<hbm>>) target(%dma_start3A_157 : memref<128x128xf32, #tpu.memory_space<vmem>>) target_semaphore(%dma_start3A_153 : memref<!tpu.dma_semaphore, #tpu.memory_space<semaphore_mem>>)
    %mul3A_160 = arith.constant 1024 : i32
    %mul3A_161 = arith.muli %add3A, %mul3A_160 : i32
    %add3A_162 = arith.constant 640 : i32
    %add3A_163 = arith.addi %mul3A_161, %add3A_162 : i32
    %dma_start3A_164 = arith.constant 5 : i32
    %dma_start3A_165 = arith.constant 5 : i32
    %dma_start3A_166 = arith.constant 0 : i32
    %dma_start3A_167 = tpu.memref_slice %arg6[%dma_start3A_164, %dma_start3A_166] : memref<6x128xi32, #tpu.memory_space<vmem>> -> memref<1x128xi32, #tpu.memory_space<vmem>>
    %dma_start3A_168 = tpu.memref_squeeze %dma_start3A_167 : memref<1x128xi32, #tpu.memory_space<vmem>> -> memref<128xi32, #tpu.memory_space<vmem>>
    %dma_start3A_169 = tpu.memref_slice %arg3[%add3A_163] : memref<32768xi32, #tpu.memory_space<hbm>> -> memref<128xi32, #tpu.memory_space<hbm>>
    %dma_start3A_170 = tpu.memref_slice %arg9[%dma_start3A_165] : memref<6x!tpu.dma_semaphore, #tpu.memory_space<semaphore_mem>> -> memref<1x!tpu.dma_semaphore, #tpu.memory_space<semaphore_mem>>
    %dma_start3A_171 = tpu.memref_squeeze %dma_start3A_170 : memref<1x!tpu.dma_semaphore, #tpu.memory_space<semaphore_mem>> -> memref<!tpu.dma_semaphore, #tpu.memory_space<semaphore_mem>>
    %dma_start3A_172 = arith.constant 0 : i32
    %dma_start3A_173 = tpu.memref_slice %arg6[%dma_start3A_164, %dma_start3A_172] : memref<6x128xi32, #tpu.memory_space<vmem>> -> memref<1x128xi32, #tpu.memory_space<vmem>>
    %dma_start3A_174 = tpu.memref_squeeze %dma_start3A_173 : memref<1x128xi32, #tpu.memory_space<vmem>> -> memref<128xi32, #tpu.memory_space<vmem>>
    %dma_start3A_175 = tpu.memref_slice %arg3[%add3A_163] : memref<32768xi32, #tpu.memory_space<hbm>> -> memref<128xi32, #tpu.memory_space<hbm>>
    tpu.enqueue_dma source(%dma_start3A_175 : memref<128xi32, #tpu.memory_space<hbm>>) target(%dma_start3A_174 : memref<128xi32, #tpu.memory_space<vmem>>) target_semaphore(%dma_start3A_171 : memref<!tpu.dma_semaphore, #tpu.memory_space<semaphore_mem>>)
    %dma_start3A_176 = arith.constant 5 : i32
    %dma_start3A_177 = arith.constant 5 : i32
    %dma_start3A_178 = arith.constant 0 : i32
    %dma_start3A_179 = arith.constant 0 : i32
    %dma_start3A_180 = tpu.memref_slice %arg5[%dma_start3A_176, %dma_start3A_178, %dma_start3A_179] : memref<6x128x128xf32, #tpu.memory_space<vmem>> -> memref<1x128x128xf32, #tpu.memory_space<vmem>>
    %dma_start3A_181 = tpu.memref_squeeze %dma_start3A_180 : memref<1x128x128xf32, #tpu.memory_space<vmem>> -> memref<128x128xf32, #tpu.memory_space<vmem>>
    %dma_start3A_182 = arith.constant 0 : i32
    %dma_start3A_183 = tpu.memref_slice %arg2[%add3A_163, %dma_start3A_182] : memref<32768x128xf32, #tpu.memory_space<hbm>> -> memref<128x128xf32, #tpu.memory_space<hbm>>
    %dma_start3A_184 = tpu.memref_slice %arg9[%dma_start3A_177] : memref<6x!tpu.dma_semaphore, #tpu.memory_space<semaphore_mem>> -> memref<1x!tpu.dma_semaphore, #tpu.memory_space<semaphore_mem>>
    %dma_start3A_185 = tpu.memref_squeeze %dma_start3A_184 : memref<1x!tpu.dma_semaphore, #tpu.memory_space<semaphore_mem>> -> memref<!tpu.dma_semaphore, #tpu.memory_space<semaphore_mem>>
    %dma_start3A_186 = arith.constant 0 : i32
    %dma_start3A_187 = arith.constant 0 : i32
    %dma_start3A_188 = tpu.memref_slice %arg5[%dma_start3A_176, %dma_start3A_186, %dma_start3A_187] : memref<6x128x128xf32, #tpu.memory_space<vmem>> -> memref<1x128x128xf32, #tpu.memory_space<vmem>>
    %dma_start3A_189 = tpu.memref_squeeze %dma_start3A_188 : memref<1x128x128xf32, #tpu.memory_space<vmem>> -> memref<128x128xf32, #tpu.memory_space<vmem>>
    %dma_start3A_190 = arith.constant 0 : i32
    %dma_start3A_191 = tpu.memref_slice %arg2[%add3A_163, %dma_start3A_190] : memref<32768x128xf32, #tpu.memory_space<hbm>> -> memref<128x128xf32, #tpu.memory_space<hbm>>
    tpu.enqueue_dma source(%dma_start3A_191 : memref<128x128xf32, #tpu.memory_space<hbm>>) target(%dma_start3A_189 : memref<128x128xf32, #tpu.memory_space<vmem>>) target_semaphore(%dma_start3A_185 : memref<!tpu.dma_semaphore, #tpu.memory_space<semaphore_mem>>)
    %broadcast_in_dim3A = arith.constant 0.000000e+00 : f32
    %broadcast_in_dim3A_192 = vector.broadcast %broadcast_in_dim3A : f32 to vector<16xf32>
    %scan3A = arith.constant 0 : i32
    %scan3A_193 = arith.constant 0 : i32
    %scan3A_194 = arith.constant 4 : i32
    %scan3A_195 = arith.addi %scan3A_193, %scan3A_194 : i32
    %scan3A_196 = arith.constant 1 : i32
    %scan3A_197 = scf.for %scan3A_731 = %scan3A_193 to %scan3A_195 step %scan3A_196 iter_args(%scan3A_732 = %scan3A) -> (i32)  : i32 {
      %swap3A = arith.index_cast %scan3A_731 : i32 to index
      %swap3A_733 = arith.constant 0 : index
      %swap3A_734 = tpu.vector_load %arg7[%swap3A, %swap3A_733] {strides = array<i32>} : memref<4x128xf32, #tpu.memory_space<vmem>>, vector<1x16xf32>,
      %swap3A_735 = vector.shape_cast %swap3A_734 : vector<1x16xf32> to vector<16xf32>
      %swap3A_736 = vector.shape_cast %broadcast_in_dim3A_192 : vector<16xf32> to vector<1x16xf32>
      tpu.vector_store %arg7[%swap3A, %swap3A_733], %swap3A_736 {strides = array<i32>} : memref<4x128xf32, #tpu.memory_space<vmem>>, vector<1x16xf32>,
      %swap3A_737 = arith.index_cast %scan3A_731 : i32 to index
      %swap3A_738 = arith.constant 16 : index
      %swap3A_739 = tpu.vector_load %arg7[%swap3A_737, %swap3A_738] {strides = array<i32>} : memref<4x128xf32, #tpu.memory_space<vmem>>, vector<1x16xf32>,
      %swap3A_740 = vector.shape_cast %swap3A_739 : vector<1x16xf32> to vector<16xf32>
      %swap3A_741 = vector.shape_cast %broadcast_in_dim3A_192 : vector<16xf32> to vector<1x16xf32>
      tpu.vector_store %arg7[%swap3A_737, %swap3A_738], %swap3A_741 {strides = array<i32>} : memref<4x128xf32, #tpu.memory_space<vmem>>, vector<1x16xf32>,
      %swap3A_742 = arith.index_cast %scan3A_731 : i32 to index
      %swap3A_743 = arith.constant 32 : index
      %swap3A_744 = tpu.vector_load %arg7[%swap3A_742, %swap3A_743] {strides = array<i32>} : memref<4x128xf32, #tpu.memory_space<vmem>>, vector<1x16xf32>,
      %swap3A_745 = vector.shape_cast %swap3A_744 : vector<1x16xf32> to vector<16xf32>
      %swap3A_746 = vector.shape_cast %broadcast_in_dim3A_192 : vector<16xf32> to vector<1x16xf32>
      tpu.vector_store %arg7[%swap3A_742, %swap3A_743], %swap3A_746 {strides = array<i32>} : memref<4x128xf32, #tpu.memory_space<vmem>>, vector<1x16xf32>,
      %swap3A_747 = arith.index_cast %scan3A_731 : i32 to index
      %swap3A_748 = arith.constant 48 : index
      %swap3A_749 = tpu.vector_load %arg7[%swap3A_747, %swap3A_748] {strides = array<i32>} : memref<4x128xf32, #tpu.memory_space<vmem>>, vector<1x16xf32>,
      %swap3A_750 = vector.shape_cast %swap3A_749 : vector<1x16xf32> to vector<16xf32>
      %swap3A_751 = vector.shape_cast %broadcast_in_dim3A_192 : vector<16xf32> to vector<1x16xf32>
      tpu.vector_store %arg7[%swap3A_747, %swap3A_748], %swap3A_751 {strides = array<i32>} : memref<4x128xf32, #tpu.memory_space<vmem>>, vector<1x16xf32>,
      %swap3A_752 = arith.index_cast %scan3A_731 : i32 to index
      %swap3A_753 = arith.constant 64 : index
      %swap3A_754 = tpu.vector_load %arg7[%swap3A_752, %swap3A_753] {strides = array<i32>} : memref<4x128xf32, #tpu.memory_space<vmem>>, vector<1x16xf32>,
      %swap3A_755 = vector.shape_cast %swap3A_754 : vector<1x16xf32> to vector<16xf32>
      %swap3A_756 = vector.shape_cast %broadcast_in_dim3A_192 : vector<16xf32> to vector<1x16xf32>
      tpu.vector_store %arg7[%swap3A_752, %swap3A_753], %swap3A_756 {strides = array<i32>} : memref<4x128xf32, #tpu.memory_space<vmem>>, vector<1x16xf32>,
      %swap3A_757 = arith.index_cast %scan3A_731 : i32 to index
      %swap3A_758 = arith.constant 80 : index
      %swap3A_759 = tpu.vector_load %arg7[%swap3A_757, %swap3A_758] {strides = array<i32>} : memref<4x128xf32, #tpu.memory_space<vmem>>, vector<1x16xf32>,
      %swap3A_760 = vector.shape_cast %swap3A_759 : vector<1x16xf32> to vector<16xf32>
      %swap3A_761 = vector.shape_cast %broadcast_in_dim3A_192 : vector<16xf32> to vector<1x16xf32>
      tpu.vector_store %arg7[%swap3A_757, %swap3A_758], %swap3A_761 {strides = array<i32>} : memref<4x128xf32, #tpu.memory_space<vmem>>, vector<1x16xf32>,
      %swap3A_762 = arith.index_cast %scan3A_731 : i32 to index
      %swap3A_763 = arith.constant 96 : index
      %swap3A_764 = tpu.vector_load %arg7[%swap3A_762, %swap3A_763] {strides = array<i32>} : memref<4x128xf32, #tpu.memory_space<vmem>>, vector<1x16xf32>,
      %swap3A_765 = vector.shape_cast %swap3A_764 : vector<1x16xf32> to vector<16xf32>
      %swap3A_766 = vector.shape_cast %broadcast_in_dim3A_192 : vector<16xf32> to vector<1x16xf32>
      tpu.vector_store %arg7[%swap3A_762, %swap3A_763], %swap3A_766 {strides = array<i32>} : memref<4x128xf32, #tpu.memory_space<vmem>>, vector<1x16xf32>,
      %swap3A_767 = arith.index_cast %scan3A_731 : i32 to index
      %swap3A_768 = arith.constant 112 : index
      %swap3A_769 = tpu.vector_load %arg7[%swap3A_767, %swap3A_768] {strides = array<i32>} : memref<4x128xf32, #tpu.memory_space<vmem>>, vector<1x16xf32>,
      %swap3A_770 = vector.shape_cast %swap3A_769 : vector<1x16xf32> to vector<16xf32>
      %swap3A_771 = vector.shape_cast %broadcast_in_dim3A_192 : vector<16xf32> to vector<1x16xf32>
      tpu.vector_store %arg7[%swap3A_767, %swap3A_768], %swap3A_771 {strides = array<i32>} : memref<4x128xf32, #tpu.memory_space<vmem>>, vector<1x16xf32>,
      %scan3A_772 = arith.constant 0 : i32
      scf.yield %scan3A_772 : i32
    }
    %scan3A_198 = arith.constant 4 : i32
    %mul3A_199 = arith.constant 4 : i32
    %mul3A_200 = arith.muli %arg1, %mul3A_199 : i32
    "tpu.region"() ({
      %run_scoped3A = tpu.sem_alloc : memref<!tpu.dma_semaphore, #tpu.memory_space<semaphore_mem>>
      %dma_start3A_731 = arith.constant 0 : i32
      %dma_start3A_732 = tpu.memref_slice %arg8[%mul3A_200, %dma_start3A_731] : memref<64x128xf32, #tpu.memory_space<vmem_shared>> -> memref<4x128xf32, #tpu.memory_space<vmem_shared>>
      %dma_start3A_733 = arith.constant 0 : i32
      %dma_start3A_734 = tpu.memref_slice %arg8[%mul3A_200, %dma_start3A_733] : memref<64x128xf32, #tpu.memory_space<vmem_shared>> -> memref<4x128xf32, #tpu.memory_space<vmem_shared>>
      tpu.enqueue_dma source(%arg7 : memref<4x128xf32, #tpu.memory_space<vmem>>) target(%dma_start3A_734 : memref<4x128xf32, #tpu.memory_space<vmem_shared>>) target_semaphore(%run_scoped3A : memref<!tpu.dma_semaphore, #tpu.memory_space<semaphore_mem>>)
      %dma_wait3A_735 = arith.constant 0 : i32
      %dma_wait3A_736 = tpu.memref_slice %arg8[%mul3A_200, %dma_wait3A_735] : memref<64x128xf32, #tpu.memory_space<vmem_shared>> -> memref<4x128xf32, #tpu.memory_space<vmem_shared>>
      %dma_wait3A_737 = arith.constant 0 : i32
      %dma_wait3A_738 = tpu.memref_slice %arg8[%mul3A_200, %dma_wait3A_737] : memref<64x128xf32, #tpu.memory_space<vmem_shared>> -> memref<4x128xf32, #tpu.memory_space<vmem_shared>>
      tpu.wait_dma2 semaphore(%run_scoped3A : memref<!tpu.dma_semaphore, #tpu.memory_space<semaphore_mem>>) src(%arg7 : memref<4x128xf32, #tpu.memory_space<vmem>>) dst(%dma_wait3A_738 : memref<4x128xf32, #tpu.memory_space<vmem_shared>>)
      tpu.yield
    }) : () -> ()
    %barrier3A = arith.constant 0 : index
    tpu.barrier barrier_id(%barrier3A)
    %dma_wait3A = arith.constant 0 : i32
    %dma_wait3A_201 = arith.constant 0 : i32
    %dma_wait3A_202 = arith.constant 0 : i32
    %dma_wait3A_203 = tpu.memref_slice %arg6[%dma_wait3A, %dma_wait3A_202] : memref<6x128xi32, #tpu.memory_space<vmem>> -> memref<1x128xi32, #tpu.memory_space<vmem>>
    %dma_wait3A_204 = tpu.memref_squeeze %dma_wait3A_203 : memref<1x128xi32, #tpu.memory_space<vmem>> -> memref<128xi32, #tpu.memory_space<vmem>>
    %dma_wait3A_205 = tpu.memref_slice %arg3[%add3A_4] : memref<32768xi32, #tpu.memory_space<hbm>> -> memref<128xi32, #tpu.memory_space<hbm>>
    %dma_wait3A_206 = tpu.memref_slice %arg9[%dma_wait3A_201] : memref<6x!tpu.dma_semaphore, #tpu.memory_space<semaphore_mem>> -> memref<1x!tpu.dma_semaphore, #tpu.memory_space<semaphore_mem>>
    %dma_wait3A_207 = tpu.memref_squeeze %dma_wait3A_206 : memref<1x!tpu.dma_semaphore, #tpu.memory_space<semaphore_mem>> -> memref<!tpu.dma_semaphore, #tpu.memory_space<semaphore_mem>>
    %dma_wait3A_208 = arith.constant 0 : i32
    %dma_wait3A_209 = tpu.memref_slice %arg6[%dma_wait3A, %dma_wait3A_208] : memref<6x128xi32, #tpu.memory_space<vmem>> -> memref<1x128xi32, #tpu.memory_space<vmem>>
    %dma_wait3A_210 = tpu.memref_squeeze %dma_wait3A_209 : memref<1x128xi32, #tpu.memory_space<vmem>> -> memref<128xi32, #tpu.memory_space<vmem>>
    %dma_wait3A_211 = tpu.memref_slice %arg3[%add3A_4] : memref<32768xi32, #tpu.memory_space<hbm>> -> memref<128xi32, #tpu.memory_space<hbm>>
    tpu.wait_dma2 semaphore(%dma_wait3A_207 : memref<!tpu.dma_semaphore, #tpu.memory_space<semaphore_mem>>) src(%dma_wait3A_211 : memref<128xi32, #tpu.memory_space<hbm>>) dst(%dma_wait3A_210 : memref<128xi32, #tpu.memory_space<vmem>>)
    %dma_wait3A_212 = arith.constant 0 : i32
    %dma_wait3A_213 = arith.constant 0 : i32
    %dma_wait3A_214 = arith.constant 0 : i32
    %dma_wait3A_215 = arith.constant 0 : i32
    %dma_wait3A_216 = tpu.memref_slice %arg5[%dma_wait3A_212, %dma_wait3A_214, %dma_wait3A_215] : memref<6x128x128xf32, #tpu.memory_space<vmem>> -> memref<1x128x128xf32, #tpu.memory_space<vmem>>
    %dma_wait3A_217 = tpu.memref_squeeze %dma_wait3A_216 : memref<1x128x128xf32, #tpu.memory_space<vmem>> -> memref<128x128xf32, #tpu.memory_space<vmem>>
    %dma_wait3A_218 = arith.constant 0 : i32
    %dma_wait3A_219 = tpu.memref_slice %arg2[%add3A_4, %dma_wait3A_218] : memref<32768x128xf32, #tpu.memory_space<hbm>> -> memref<128x128xf32, #tpu.memory_space<hbm>>
    %dma_wait3A_220 = tpu.memref_slice %arg9[%dma_wait3A_213] : memref<6x!tpu.dma_semaphore, #tpu.memory_space<semaphore_mem>> -> memref<1x!tpu.dma_semaphore, #tpu.memory_space<semaphore_mem>>
    %dma_wait3A_221 = tpu.memref_squeeze %dma_wait3A_220 : memref<1x!tpu.dma_semaphore, #tpu.memory_space<semaphore_mem>> -> memref<!tpu.dma_semaphore, #tpu.memory_space<semaphore_mem>>
    %dma_wait3A_222 = arith.constant 0 : i32
    %dma_wait3A_223 = arith.constant 0 : i32
    %dma_wait3A_224 = tpu.memref_slice %arg5[%dma_wait3A_212, %dma_wait3A_222, %dma_wait3A_223] : memref<6x128x128xf32, #tpu.memory_space<vmem>> -> memref<1x128x128xf32, #tpu.memory_space<vmem>>
    %dma_wait3A_225 = tpu.memref_squeeze %dma_wait3A_224 : memref<1x128x128xf32, #tpu.memory_space<vmem>> -> memref<128x128xf32, #tpu.memory_space<vmem>>
    %dma_wait3A_226 = arith.constant 0 : i32
    %dma_wait3A_227 = tpu.memref_slice %arg2[%add3A_4, %dma_wait3A_226] : memref<32768x128xf32, #tpu.memory_space<hbm>> -> memref<128x128xf32, #tpu.memory_space<hbm>>
    tpu.wait_dma2 semaphore(%dma_wait3A_221 : memref<!tpu.dma_semaphore, #tpu.memory_space<semaphore_mem>>) src(%dma_wait3A_227 : memref<128x128xf32, #tpu.memory_space<hbm>>) dst(%dma_wait3A_225 : memref<128x128xf32, #tpu.memory_space<vmem>>)
    %dma_start3A_228 = arith.constant 0 : i32
    %dma_start3A_229 = arith.constant 0 : i32
    %dma_start3A_230 = arith.constant 0 : i32
    %dma_start3A_231 = arith.constant 0 : i32
    %dma_start3A_232 = arith.constant 0 : i32
    %dma_start3A_233 = tpu.memref_slice %arg5[%dma_start3A_228, %dma_start3A_231, %dma_start3A_232] : memref<6x128x128xf32, #tpu.memory_space<vmem>> -> memref<1x128x128xf32, #tpu.memory_space<vmem>>
    %dma_start3A_234 = tpu.memref_squeeze %dma_start3A_233 : memref<1x128x128xf32, #tpu.memory_space<vmem>> -> memref<128x128xf32, #tpu.memory_space<vmem>>
    %dma_start3A_235 = arith.constant 0 : i32
    %dma_start3A_236 = tpu.memref_slice %arg6[%dma_start3A_229, %dma_start3A_235] : memref<6x128xi32, #tpu.memory_space<vmem>> -> memref<1x128xi32, #tpu.memory_space<vmem>>
    %dma_start3A_237 = tpu.memref_squeeze %dma_start3A_236 : memref<1x128xi32, #tpu.memory_space<vmem>> -> memref<128xi32, #tpu.memory_space<vmem>>
    %dma_start3A_238 = arith.constant 0 : i32
    %dma_start3A_239 = arith.constant 0 : i32
    %dma_start3A_240 = tpu.memref_slice %arg8[%dma_start3A_238, %dma_start3A_239] : memref<64x128xf32, #tpu.memory_space<vmem_shared>> -> memref<64x128xf32, #tpu.memory_space<vmem_shared>>
    %dma_start3A_241 = tpu.memref_slice %arg10[%dma_start3A_230] : memref<6x!tpu.dma_semaphore, #tpu.memory_space<semaphore_mem>> -> memref<1x!tpu.dma_semaphore, #tpu.memory_space<semaphore_mem>>
    %dma_start3A_242 = tpu.memref_squeeze %dma_start3A_241 : memref<1x!tpu.dma_semaphore, #tpu.memory_space<semaphore_mem>> -> memref<!tpu.dma_semaphore, #tpu.memory_space<semaphore_mem>>
    tpu.enqueue_indirect_dma source(%dma_start3A_234 : memref<128x128xf32, #tpu.memory_space<vmem>>) target(%dma_start3A_240 : memref<64x128xf32, #tpu.memory_space<vmem_shared>>) offsets(%dma_start3A_237 : memref<128xi32, #tpu.memory_space<vmem>>) semaphore(%dma_start3A_242 : memref<!tpu.dma_semaphore, #tpu.memory_space<semaphore_mem>>) {add = true}
    %dma_wait3A_243 = arith.constant 1 : i32
    %dma_wait3A_244 = arith.constant 1 : i32
    %dma_wait3A_245 = arith.constant 0 : i32
    %dma_wait3A_246 = tpu.memref_slice %arg6[%dma_wait3A_243, %dma_wait3A_245] : memref<6x128xi32, #tpu.memory_space<vmem>> -> memref<1x128xi32, #tpu.memory_space<vmem>>
    %dma_wait3A_247 = tpu.memref_squeeze %dma_wait3A_246 : memref<1x128xi32, #tpu.memory_space<vmem>> -> memref<128xi32, #tpu.memory_space<vmem>>
    %dma_wait3A_248 = tpu.memref_slice %arg3[%add3A_35] : memref<32768xi32, #tpu.memory_space<hbm>> -> memref<128xi32, #tpu.memory_space<hbm>>
    %dma_wait3A_249 = tpu.memref_slice %arg9[%dma_wait3A_244] : memref<6x!tpu.dma_semaphore, #tpu.memory_space<semaphore_mem>> -> memref<1x!tpu.dma_semaphore, #tpu.memory_space<semaphore_mem>>
    %dma_wait3A_250 = tpu.memref_squeeze %dma_wait3A_249 : memref<1x!tpu.dma_semaphore, #tpu.memory_space<semaphore_mem>> -> memref<!tpu.dma_semaphore, #tpu.memory_space<semaphore_mem>>
    %dma_wait3A_251 = arith.constant 0 : i32
    %dma_wait3A_252 = tpu.memref_slice %arg6[%dma_wait3A_243, %dma_wait3A_251] : memref<6x128xi32, #tpu.memory_space<vmem>> -> memref<1x128xi32, #tpu.memory_space<vmem>>
    %dma_wait3A_253 = tpu.memref_squeeze %dma_wait3A_252 : memref<1x128xi32, #tpu.memory_space<vmem>> -> memref<128xi32, #tpu.memory_space<vmem>>
    %dma_wait3A_254 = tpu.memref_slice %arg3[%add3A_35] : memref<32768xi32, #tpu.memory_space<hbm>> -> memref<128xi32, #tpu.memory_space<hbm>>
    tpu.wait_dma2 semaphore(%dma_wait3A_250 : memref<!tpu.dma_semaphore, #tpu.memory_space<semaphore_mem>>) src(%dma_wait3A_254 : memref<128xi32, #tpu.memory_space<hbm>>) dst(%dma_wait3A_253 : memref<128xi32, #tpu.memory_space<vmem>>)
    %dma_wait3A_255 = arith.constant 1 : i32
    %dma_wait3A_256 = arith.constant 1 : i32
    %dma_wait3A_257 = arith.constant 0 : i32
    %dma_wait3A_258 = arith.constant 0 : i32
    %dma_wait3A_259 = tpu.memref_slice %arg5[%dma_wait3A_255, %dma_wait3A_257, %dma_wait3A_258] : memref<6x128x128xf32, #tpu.memory_space<vmem>> -> memref<1x128x128xf32, #tpu.memory_space<vmem>>
    %dma_wait3A_260 = tpu.memref_squeeze %dma_wait3A_259 : memref<1x128x128xf32, #tpu.memory_space<vmem>> -> memref<128x128xf32, #tpu.memory_space<vmem>>
    %dma_wait3A_261 = arith.constant 0 : i32
    %dma_wait3A_262 = tpu.memref_slice %arg2[%add3A_35, %dma_wait3A_261] : memref<32768x128xf32, #tpu.memory_space<hbm>> -> memref<128x128xf32, #tpu.memory_space<hbm>>
    %dma_wait3A_263 = tpu.memref_slice %arg9[%dma_wait3A_256] : memref<6x!tpu.dma_semaphore, #tpu.memory_space<semaphore_mem>> -> memref<1x!tpu.dma_semaphore, #tpu.memory_space<semaphore_mem>>
    %dma_wait3A_264 = tpu.memref_squeeze %dma_wait3A_263 : memref<1x!tpu.dma_semaphore, #tpu.memory_space<semaphore_mem>> -> memref<!tpu.dma_semaphore, #tpu.memory_space<semaphore_mem>>
    %dma_wait3A_265 = arith.constant 0 : i32
    %dma_wait3A_266 = arith.constant 0 : i32
    %dma_wait3A_267 = tpu.memref_slice %arg5[%dma_wait3A_255, %dma_wait3A_265, %dma_wait3A_266] : memref<6x128x128xf32, #tpu.memory_space<vmem>> -> memref<1x128x128xf32, #tpu.memory_space<vmem>>
    %dma_wait3A_268 = tpu.memref_squeeze %dma_wait3A_267 : memref<1x128x128xf32, #tpu.memory_space<vmem>> -> memref<128x128xf32, #tpu.memory_space<vmem>>
    %dma_wait3A_269 = arith.constant 0 : i32
    %dma_wait3A_270 = tpu.memref_slice %arg2[%add3A_35, %dma_wait3A_269] : memref<32768x128xf32, #tpu.memory_space<hbm>> -> memref<128x128xf32, #tpu.memory_space<hbm>>
    tpu.wait_dma2 semaphore(%dma_wait3A_264 : memref<!tpu.dma_semaphore, #tpu.memory_space<semaphore_mem>>) src(%dma_wait3A_270 : memref<128x128xf32, #tpu.memory_space<hbm>>) dst(%dma_wait3A_268 : memref<128x128xf32, #tpu.memory_space<vmem>>)
    %dma_start3A_271 = arith.constant 1 : i32
    %dma_start3A_272 = arith.constant 1 : i32
    %dma_start3A_273 = arith.constant 1 : i32
    %dma_start3A_274 = arith.constant 0 : i32
    %dma_start3A_275 = arith.constant 0 : i32
    %dma_start3A_276 = tpu.memref_slice %arg5[%dma_start3A_271, %dma_start3A_274, %dma_start3A_275] : memref<6x128x128xf32, #tpu.memory_space<vmem>> -> memref<1x128x128xf32, #tpu.memory_space<vmem>>
    %dma_start3A_277 = tpu.memref_squeeze %dma_start3A_276 : memref<1x128x128xf32, #tpu.memory_space<vmem>> -> memref<128x128xf32, #tpu.memory_space<vmem>>
    %dma_start3A_278 = arith.constant 0 : i32
    %dma_start3A_279 = tpu.memref_slice %arg6[%dma_start3A_272, %dma_start3A_278] : memref<6x128xi32, #tpu.memory_space<vmem>> -> memref<1x128xi32, #tpu.memory_space<vmem>>
    %dma_start3A_280 = tpu.memref_squeeze %dma_start3A_279 : memref<1x128xi32, #tpu.memory_space<vmem>> -> memref<128xi32, #tpu.memory_space<vmem>>
    %dma_start3A_281 = arith.constant 0 : i32
    %dma_start3A_282 = arith.constant 0 : i32
    %dma_start3A_283 = tpu.memref_slice %arg8[%dma_start3A_281, %dma_start3A_282] : memref<64x128xf32, #tpu.memory_space<vmem_shared>> -> memref<64x128xf32, #tpu.memory_space<vmem_shared>>
    %dma_start3A_284 = tpu.memref_slice %arg10[%dma_start3A_273] : memref<6x!tpu.dma_semaphore, #tpu.memory_space<semaphore_mem>> -> memref<1x!tpu.dma_semaphore, #tpu.memory_space<semaphore_mem>>
    %dma_start3A_285 = tpu.memref_squeeze %dma_start3A_284 : memref<1x!tpu.dma_semaphore, #tpu.memory_space<semaphore_mem>> -> memref<!tpu.dma_semaphore, #tpu.memory_space<semaphore_mem>>
    tpu.enqueue_indirect_dma source(%dma_start3A_277 : memref<128x128xf32, #tpu.memory_space<vmem>>) target(%dma_start3A_283 : memref<64x128xf32, #tpu.memory_space<vmem_shared>>) offsets(%dma_start3A_280 : memref<128xi32, #tpu.memory_space<vmem>>) semaphore(%dma_start3A_285 : memref<!tpu.dma_semaphore, #tpu.memory_space<semaphore_mem>>) {add = true}
    %dma_wait3A_286 = arith.constant 0 : i32
    %dma_wait3A_287 = arith.constant 0 : i32
    %dma_wait3A_288 = arith.constant 0 : i32
    %dma_wait3A_289 = arith.constant 0 : i32
    %dma_wait3A_290 = arith.constant 0 : i32
    %dma_wait3A_291 = tpu.memref_slice %arg5[%dma_wait3A_286, %dma_wait3A_289, %dma_wait3A_290] : memref<6x128x128xf32, #tpu.memory_space<vmem>> -> memref<1x128x128xf32, #tpu.memory_space<vmem>>
    %dma_wait3A_292 = tpu.memref_squeeze %dma_wait3A_291 : memref<1x128x128xf32, #tpu.memory_space<vmem>> -> memref<128x128xf32, #tpu.memory_space<vmem>>
    %dma_wait3A_293 = arith.constant 0 : i32
    %dma_wait3A_294 = tpu.memref_slice %arg6[%dma_wait3A_287, %dma_wait3A_293] : memref<6x128xi32, #tpu.memory_space<vmem>> -> memref<1x128xi32, #tpu.memory_space<vmem>>
    %dma_wait3A_295 = tpu.memref_squeeze %dma_wait3A_294 : memref<1x128xi32, #tpu.memory_space<vmem>> -> memref<128xi32, #tpu.memory_space<vmem>>
    %dma_wait3A_296 = arith.constant 0 : i32
    %dma_wait3A_297 = arith.constant 0 : i32
    %dma_wait3A_298 = tpu.memref_slice %arg8[%dma_wait3A_296, %dma_wait3A_297] : memref<64x128xf32, #tpu.memory_space<vmem_shared>> -> memref<64x128xf32, #tpu.memory_space<vmem_shared>>
    %dma_wait3A_299 = tpu.memref_slice %arg10[%dma_wait3A_288] : memref<6x!tpu.dma_semaphore, #tpu.memory_space<semaphore_mem>> -> memref<1x!tpu.dma_semaphore, #tpu.memory_space<semaphore_mem>>
    %dma_wait3A_300 = tpu.memref_squeeze %dma_wait3A_299 : memref<1x!tpu.dma_semaphore, #tpu.memory_space<semaphore_mem>> -> memref<!tpu.dma_semaphore, #tpu.memory_space<semaphore_mem>>
    tpu.wait_indirect_dma semaphore(%dma_wait3A_300 : memref<!tpu.dma_semaphore, #tpu.memory_space<semaphore_mem>>) src(%dma_wait3A_292 : memref<128x128xf32, #tpu.memory_space<vmem>>) dst(%dma_wait3A_298 : memref<64x128xf32, #tpu.memory_space<vmem_shared>>)
    %mul3A_301 = arith.constant 1024 : i32
    %mul3A_302 = arith.muli %add3A, %mul3A_301 : i32
    %add3A_303 = arith.constant 768 : i32
    %add3A_304 = arith.addi %mul3A_302, %add3A_303 : i32
    %dma_start3A_305 = arith.constant 0 : i32
    %dma_start3A_306 = arith.constant 0 : i32
    %dma_start3A_307 = arith.constant 0 : i32
    %dma_start3A_308 = tpu.memref_slice %arg6[%dma_start3A_305, %dma_start3A_307] : memref<6x128xi32, #tpu.memory_space<vmem>> -> memref<1x128xi32, #tpu.memory_space<vmem>>
    %dma_start3A_309 = tpu.memref_squeeze %dma_start3A_308 : memref<1x128xi32, #tpu.memory_space<vmem>> -> memref<128xi32, #tpu.memory_space<vmem>>
    %dma_start3A_310 = tpu.memref_slice %arg3[%add3A_304] : memref<32768xi32, #tpu.memory_space<hbm>> -> memref<128xi32, #tpu.memory_space<hbm>>
    %dma_start3A_311 = tpu.memref_slice %arg9[%dma_start3A_306] : memref<6x!tpu.dma_semaphore, #tpu.memory_space<semaphore_mem>> -> memref<1x!tpu.dma_semaphore, #tpu.memory_space<semaphore_mem>>
    %dma_start3A_312 = tpu.memref_squeeze %dma_start3A_311 : memref<1x!tpu.dma_semaphore, #tpu.memory_space<semaphore_mem>> -> memref<!tpu.dma_semaphore, #tpu.memory_space<semaphore_mem>>
    %dma_start3A_313 = arith.constant 0 : i32
    %dma_start3A_314 = tpu.memref_slice %arg6[%dma_start3A_305, %dma_start3A_313] : memref<6x128xi32, #tpu.memory_space<vmem>> -> memref<1x128xi32, #tpu.memory_space<vmem>>
    %dma_start3A_315 = tpu.memref_squeeze %dma_start3A_314 : memref<1x128xi32, #tpu.memory_space<vmem>> -> memref<128xi32, #tpu.memory_space<vmem>>
    %dma_start3A_316 = tpu.memref_slice %arg3[%add3A_304] : memref<32768xi32, #tpu.memory_space<hbm>> -> memref<128xi32, #tpu.memory_space<hbm>>
    tpu.enqueue_dma source(%dma_start3A_316 : memref<128xi32, #tpu.memory_space<hbm>>) target(%dma_start3A_315 : memref<128xi32, #tpu.memory_space<vmem>>) target_semaphore(%dma_start3A_312 : memref<!tpu.dma_semaphore, #tpu.memory_space<semaphore_mem>>)
    %dma_start3A_317 = arith.constant 0 : i32
    %dma_start3A_318 = arith.constant 0 : i32
    %dma_start3A_319 = arith.constant 0 : i32
    %dma_start3A_320 = arith.constant 0 : i32
    %dma_start3A_321 = tpu.memref_slice %arg5[%dma_start3A_317, %dma_start3A_319, %dma_start3A_320] : memref<6x128x128xf32, #tpu.memory_space<vmem>> -> memref<1x128x128xf32, #tpu.memory_space<vmem>>
    %dma_start3A_322 = tpu.memref_squeeze %dma_start3A_321 : memref<1x128x128xf32, #tpu.memory_space<vmem>> -> memref<128x128xf32, #tpu.memory_space<vmem>>
    %dma_start3A_323 = arith.constant 0 : i32
    %dma_start3A_324 = tpu.memref_slice %arg2[%add3A_304, %dma_start3A_323] : memref<32768x128xf32, #tpu.memory_space<hbm>> -> memref<128x128xf32, #tpu.memory_space<hbm>>
    %dma_start3A_325 = tpu.memref_slice %arg9[%dma_start3A_318] : memref<6x!tpu.dma_semaphore, #tpu.memory_space<semaphore_mem>> -> memref<1x!tpu.dma_semaphore, #tpu.memory_space<semaphore_mem>>
    %dma_start3A_326 = tpu.memref_squeeze %dma_start3A_325 : memref<1x!tpu.dma_semaphore, #tpu.memory_space<semaphore_mem>> -> memref<!tpu.dma_semaphore, #tpu.memory_space<semaphore_mem>>
    %dma_start3A_327 = arith.constant 0 : i32
    %dma_start3A_328 = arith.constant 0 : i32
    %dma_start3A_329 = tpu.memref_slice %arg5[%dma_start3A_317, %dma_start3A_327, %dma_start3A_328] : memref<6x128x128xf32, #tpu.memory_space<vmem>> -> memref<1x128x128xf32, #tpu.memory_space<vmem>>
    %dma_start3A_330 = tpu.memref_squeeze %dma_start3A_329 : memref<1x128x128xf32, #tpu.memory_space<vmem>> -> memref<128x128xf32, #tpu.memory_space<vmem>>
    %dma_start3A_331 = arith.constant 0 : i32
    %dma_start3A_332 = tpu.memref_slice %arg2[%add3A_304, %dma_start3A_331] : memref<32768x128xf32, #tpu.memory_space<hbm>> -> memref<128x128xf32, #tpu.memory_space<hbm>>
    tpu.enqueue_dma source(%dma_start3A_332 : memref<128x128xf32, #tpu.memory_space<hbm>>) target(%dma_start3A_330 : memref<128x128xf32, #tpu.memory_space<vmem>>) target_semaphore(%dma_start3A_326 : memref<!tpu.dma_semaphore, #tpu.memory_space<semaphore_mem>>)
    %dma_wait3A_333 = arith.constant 2 : i32
    %dma_wait3A_334 = arith.constant 2 : i32
    %dma_wait3A_335 = arith.constant 0 : i32
    %dma_wait3A_336 = tpu.memref_slice %arg6[%dma_wait3A_333, %dma_wait3A_335] : memref<6x128xi32, #tpu.memory_space<vmem>> -> memref<1x128xi32, #tpu.memory_space<vmem>>
    %dma_wait3A_337 = tpu.memref_squeeze %dma_wait3A_336 : memref<1x128xi32, #tpu.memory_space<vmem>> -> memref<128xi32, #tpu.memory_space<vmem>>
    %dma_wait3A_338 = tpu.memref_slice %arg3[%add3A_67] : memref<32768xi32, #tpu.memory_space<hbm>> -> memref<128xi32, #tpu.memory_space<hbm>>
    %dma_wait3A_339 = tpu.memref_slice %arg9[%dma_wait3A_334] : memref<6x!tpu.dma_semaphore, #tpu.memory_space<semaphore_mem>> -> memref<1x!tpu.dma_semaphore, #tpu.memory_space<semaphore_mem>>
    %dma_wait3A_340 = tpu.memref_squeeze %dma_wait3A_339 : memref<1x!tpu.dma_semaphore, #tpu.memory_space<semaphore_mem>> -> memref<!tpu.dma_semaphore, #tpu.memory_space<semaphore_mem>>
    %dma_wait3A_341 = arith.constant 0 : i32
    %dma_wait3A_342 = tpu.memref_slice %arg6[%dma_wait3A_333, %dma_wait3A_341] : memref<6x128xi32, #tpu.memory_space<vmem>> -> memref<1x128xi32, #tpu.memory_space<vmem>>
    %dma_wait3A_343 = tpu.memref_squeeze %dma_wait3A_342 : memref<1x128xi32, #tpu.memory_space<vmem>> -> memref<128xi32, #tpu.memory_space<vmem>>
    %dma_wait3A_344 = tpu.memref_slice %arg3[%add3A_67] : memref<32768xi32, #tpu.memory_space<hbm>> -> memref<128xi32, #tpu.memory_space<hbm>>
    tpu.wait_dma2 semaphore(%dma_wait3A_340 : memref<!tpu.dma_semaphore, #tpu.memory_space<semaphore_mem>>) src(%dma_wait3A_344 : memref<128xi32, #tpu.memory_space<hbm>>) dst(%dma_wait3A_343 : memref<128xi32, #tpu.memory_space<vmem>>)
    %dma_wait3A_345 = arith.constant 2 : i32
    %dma_wait3A_346 = arith.constant 2 : i32
    %dma_wait3A_347 = arith.constant 0 : i32
    %dma_wait3A_348 = arith.constant 0 : i32
    %dma_wait3A_349 = tpu.memref_slice %arg5[%dma_wait3A_345, %dma_wait3A_347, %dma_wait3A_348] : memref<6x128x128xf32, #tpu.memory_space<vmem>> -> memref<1x128x128xf32, #tpu.memory_space<vmem>>
    %dma_wait3A_350 = tpu.memref_squeeze %dma_wait3A_349 : memref<1x128x128xf32, #tpu.memory_space<vmem>> -> memref<128x128xf32, #tpu.memory_space<vmem>>
    %dma_wait3A_351 = arith.constant 0 : i32
    %dma_wait3A_352 = tpu.memref_slice %arg2[%add3A_67, %dma_wait3A_351] : memref<32768x128xf32, #tpu.memory_space<hbm>> -> memref<128x128xf32, #tpu.memory_space<hbm>>
    %dma_wait3A_353 = tpu.memref_slice %arg9[%dma_wait3A_346] : memref<6x!tpu.dma_semaphore, #tpu.memory_space<semaphore_mem>> -> memref<1x!tpu.dma_semaphore, #tpu.memory_space<semaphore_mem>>
    %dma_wait3A_354 = tpu.memref_squeeze %dma_wait3A_353 : memref<1x!tpu.dma_semaphore, #tpu.memory_space<semaphore_mem>> -> memref<!tpu.dma_semaphore, #tpu.memory_space<semaphore_mem>>
    %dma_wait3A_355 = arith.constant 0 : i32
    %dma_wait3A_356 = arith.constant 0 : i32
    %dma_wait3A_357 = tpu.memref_slice %arg5[%dma_wait3A_345, %dma_wait3A_355, %dma_wait3A_356] : memref<6x128x128xf32, #tpu.memory_space<vmem>> -> memref<1x128x128xf32, #tpu.memory_space<vmem>>
    %dma_wait3A_358 = tpu.memref_squeeze %dma_wait3A_357 : memref<1x128x128xf32, #tpu.memory_space<vmem>> -> memref<128x128xf32, #tpu.memory_space<vmem>>
    %dma_wait3A_359 = arith.constant 0 : i32
    %dma_wait3A_360 = tpu.memref_slice %arg2[%add3A_67, %dma_wait3A_359] : memref<32768x128xf32, #tpu.memory_space<hbm>> -> memref<128x128xf32, #tpu.memory_space<hbm>>
    tpu.wait_dma2 semaphore(%dma_wait3A_354 : memref<!tpu.dma_semaphore, #tpu.memory_space<semaphore_mem>>) src(%dma_wait3A_360 : memref<128x128xf32, #tpu.memory_space<hbm>>) dst(%dma_wait3A_358 : memref<128x128xf32, #tpu.memory_space<vmem>>)
    %dma_start3A_361 = arith.constant 2 : i32
    %dma_start3A_362 = arith.constant 2 : i32
    %dma_start3A_363 = arith.constant 2 : i32
    %dma_start3A_364 = arith.constant 0 : i32
    %dma_start3A_365 = arith.constant 0 : i32
    %dma_start3A_366 = tpu.memref_slice %arg5[%dma_start3A_361, %dma_start3A_364, %dma_start3A_365] : memref<6x128x128xf32, #tpu.memory_space<vmem>> -> memref<1x128x128xf32, #tpu.memory_space<vmem>>
    %dma_start3A_367 = tpu.memref_squeeze %dma_start3A_366 : memref<1x128x128xf32, #tpu.memory_space<vmem>> -> memref<128x128xf32, #tpu.memory_space<vmem>>
    %dma_start3A_368 = arith.constant 0 : i32
    %dma_start3A_369 = tpu.memref_slice %arg6[%dma_start3A_362, %dma_start3A_368] : memref<6x128xi32, #tpu.memory_space<vmem>> -> memref<1x128xi32, #tpu.memory_space<vmem>>
    %dma_start3A_370 = tpu.memref_squeeze %dma_start3A_369 : memref<1x128xi32, #tpu.memory_space<vmem>> -> memref<128xi32, #tpu.memory_space<vmem>>
    %dma_start3A_371 = arith.constant 0 : i32
    %dma_start3A_372 = arith.constant 0 : i32
    %dma_start3A_373 = tpu.memref_slice %arg8[%dma_start3A_371, %dma_start3A_372] : memref<64x128xf32, #tpu.memory_space<vmem_shared>> -> memref<64x128xf32, #tpu.memory_space<vmem_shared>>
    %dma_start3A_374 = tpu.memref_slice %arg10[%dma_start3A_363] : memref<6x!tpu.dma_semaphore, #tpu.memory_space<semaphore_mem>> -> memref<1x!tpu.dma_semaphore, #tpu.memory_space<semaphore_mem>>
    %dma_start3A_375 = tpu.memref_squeeze %dma_start3A_374 : memref<1x!tpu.dma_semaphore, #tpu.memory_space<semaphore_mem>> -> memref<!tpu.dma_semaphore, #tpu.memory_space<semaphore_mem>>
    tpu.enqueue_indirect_dma source(%dma_start3A_367 : memref<128x128xf32, #tpu.memory_space<vmem>>) target(%dma_start3A_373 : memref<64x128xf32, #tpu.memory_space<vmem_shared>>) offsets(%dma_start3A_370 : memref<128xi32, #tpu.memory_space<vmem>>) semaphore(%dma_start3A_375 : memref<!tpu.dma_semaphore, #tpu.memory_space<semaphore_mem>>) {add = true}
    %dma_wait3A_376 = arith.constant 1 : i32
    %dma_wait3A_377 = arith.constant 1 : i32
    %dma_wait3A_378 = arith.constant 1 : i32
    %dma_wait3A_379 = arith.constant 0 : i32
    %dma_wait3A_380 = arith.constant 0 : i32
    %dma_wait3A_381 = tpu.memref_slice %arg5[%dma_wait3A_376, %dma_wait3A_379, %dma_wait3A_380] : memref<6x128x128xf32, #tpu.memory_space<vmem>> -> memref<1x128x128xf32, #tpu.memory_space<vmem>>
    %dma_wait3A_382 = tpu.memref_squeeze %dma_wait3A_381 : memref<1x128x128xf32, #tpu.memory_space<vmem>> -> memref<128x128xf32, #tpu.memory_space<vmem>>
    %dma_wait3A_383 = arith.constant 0 : i32
    %dma_wait3A_384 = tpu.memref_slice %arg6[%dma_wait3A_377, %dma_wait3A_383] : memref<6x128xi32, #tpu.memory_space<vmem>> -> memref<1x128xi32, #tpu.memory_space<vmem>>
    %dma_wait3A_385 = tpu.memref_squeeze %dma_wait3A_384 : memref<1x128xi32, #tpu.memory_space<vmem>> -> memref<128xi32, #tpu.memory_space<vmem>>
    %dma_wait3A_386 = arith.constant 0 : i32
    %dma_wait3A_387 = arith.constant 0 : i32
    %dma_wait3A_388 = tpu.memref_slice %arg8[%dma_wait3A_386, %dma_wait3A_387] : memref<64x128xf32, #tpu.memory_space<vmem_shared>> -> memref<64x128xf32, #tpu.memory_space<vmem_shared>>
    %dma_wait3A_389 = tpu.memref_slice %arg10[%dma_wait3A_378] : memref<6x!tpu.dma_semaphore, #tpu.memory_space<semaphore_mem>> -> memref<1x!tpu.dma_semaphore, #tpu.memory_space<semaphore_mem>>
    %dma_wait3A_390 = tpu.memref_squeeze %dma_wait3A_389 : memref<1x!tpu.dma_semaphore, #tpu.memory_space<semaphore_mem>> -> memref<!tpu.dma_semaphore, #tpu.memory_space<semaphore_mem>>
    tpu.wait_indirect_dma semaphore(%dma_wait3A_390 : memref<!tpu.dma_semaphore, #tpu.memory_space<semaphore_mem>>) src(%dma_wait3A_382 : memref<128x128xf32, #tpu.memory_space<vmem>>) dst(%dma_wait3A_388 : memref<64x128xf32, #tpu.memory_space<vmem_shared>>)
    %mul3A_391 = arith.constant 1024 : i32
    %mul3A_392 = arith.muli %add3A, %mul3A_391 : i32
    %add3A_393 = arith.constant 896 : i32
    %add3A_394 = arith.addi %mul3A_392, %add3A_393 : i32
    %dma_start3A_395 = arith.constant 1 : i32
    %dma_start3A_396 = arith.constant 1 : i32
    %dma_start3A_397 = arith.constant 0 : i32
    %dma_start3A_398 = tpu.memref_slice %arg6[%dma_start3A_395, %dma_start3A_397] : memref<6x128xi32, #tpu.memory_space<vmem>> -> memref<1x128xi32, #tpu.memory_space<vmem>>
    %dma_start3A_399 = tpu.memref_squeeze %dma_start3A_398 : memref<1x128xi32, #tpu.memory_space<vmem>> -> memref<128xi32, #tpu.memory_space<vmem>>
    %dma_start3A_400 = tpu.memref_slice %arg3[%add3A_394] : memref<32768xi32, #tpu.memory_space<hbm>> -> memref<128xi32, #tpu.memory_space<hbm>>
    %dma_start3A_401 = tpu.memref_slice %arg9[%dma_start3A_396] : memref<6x!tpu.dma_semaphore, #tpu.memory_space<semaphore_mem>> -> memref<1x!tpu.dma_semaphore, #tpu.memory_space<semaphore_mem>>
    %dma_start3A_402 = tpu.memref_squeeze %dma_start3A_401 : memref<1x!tpu.dma_semaphore, #tpu.memory_space<semaphore_mem>> -> memref<!tpu.dma_semaphore, #tpu.memory_space<semaphore_mem>>
    %dma_start3A_403 = arith.constant 0 : i32
    %dma_start3A_404 = tpu.memref_slice %arg6[%dma_start3A_395, %dma_start3A_403] : memref<6x128xi32, #tpu.memory_space<vmem>> -> memref<1x128xi32, #tpu.memory_space<vmem>>
    %dma_start3A_405 = tpu.memref_squeeze %dma_start3A_404 : memref<1x128xi32, #tpu.memory_space<vmem>> -> memref<128xi32, #tpu.memory_space<vmem>>
    %dma_start3A_406 = tpu.memref_slice %arg3[%add3A_394] : memref<32768xi32, #tpu.memory_space<hbm>> -> memref<128xi32, #tpu.memory_space<hbm>>
    tpu.enqueue_dma source(%dma_start3A_406 : memref<128xi32, #tpu.memory_space<hbm>>) target(%dma_start3A_405 : memref<128xi32, #tpu.memory_space<vmem>>) target_semaphore(%dma_start3A_402 : memref<!tpu.dma_semaphore, #tpu.memory_space<semaphore_mem>>)
    %dma_start3A_407 = arith.constant 1 : i32
    %dma_start3A_408 = arith.constant 1 : i32
    %dma_start3A_409 = arith.constant 0 : i32
    %dma_start3A_410 = arith.constant 0 : i32
    %dma_start3A_411 = tpu.memref_slice %arg5[%dma_start3A_407, %dma_start3A_409, %dma_start3A_410] : memref<6x128x128xf32, #tpu.memory_space<vmem>> -> memref<1x128x128xf32, #tpu.memory_space<vmem>>
    %dma_start3A_412 = tpu.memref_squeeze %dma_start3A_411 : memref<1x128x128xf32, #tpu.memory_space<vmem>> -> memref<128x128xf32, #tpu.memory_space<vmem>>
    %dma_start3A_413 = arith.constant 0 : i32
    %dma_start3A_414 = tpu.memref_slice %arg2[%add3A_394, %dma_start3A_413] : memref<32768x128xf32, #tpu.memory_space<hbm>> -> memref<128x128xf32, #tpu.memory_space<hbm>>
    %dma_start3A_415 = tpu.memref_slice %arg9[%dma_start3A_408] : memref<6x!tpu.dma_semaphore, #tpu.memory_space<semaphore_mem>> -> memref<1x!tpu.dma_semaphore, #tpu.memory_space<semaphore_mem>>
    %dma_start3A_416 = tpu.memref_squeeze %dma_start3A_415 : memref<1x!tpu.dma_semaphore, #tpu.memory_space<semaphore_mem>> -> memref<!tpu.dma_semaphore, #tpu.memory_space<semaphore_mem>>
    %dma_start3A_417 = arith.constant 0 : i32
    %dma_start3A_418 = arith.constant 0 : i32
    %dma_start3A_419 = tpu.memref_slice %arg5[%dma_start3A_407, %dma_start3A_417, %dma_start3A_418] : memref<6x128x128xf32, #tpu.memory_space<vmem>> -> memref<1x128x128xf32, #tpu.memory_space<vmem>>
    %dma_start3A_420 = tpu.memref_squeeze %dma_start3A_419 : memref<1x128x128xf32, #tpu.memory_space<vmem>> -> memref<128x128xf32, #tpu.memory_space<vmem>>
    %dma_start3A_421 = arith.constant 0 : i32
    %dma_start3A_422 = tpu.memref_slice %arg2[%add3A_394, %dma_start3A_421] : memref<32768x128xf32, #tpu.memory_space<hbm>> -> memref<128x128xf32, #tpu.memory_space<hbm>>
    tpu.enqueue_dma source(%dma_start3A_422 : memref<128x128xf32, #tpu.memory_space<hbm>>) target(%dma_start3A_420 : memref<128x128xf32, #tpu.memory_space<vmem>>) target_semaphore(%dma_start3A_416 : memref<!tpu.dma_semaphore, #tpu.memory_space<semaphore_mem>>)
    %dma_wait3A_423 = arith.constant 3 : i32
    %dma_wait3A_424 = arith.constant 3 : i32
    %dma_wait3A_425 = arith.constant 0 : i32
    %dma_wait3A_426 = tpu.memref_slice %arg6[%dma_wait3A_423, %dma_wait3A_425] : memref<6x128xi32, #tpu.memory_space<vmem>> -> memref<1x128xi32, #tpu.memory_space<vmem>>
    %dma_wait3A_427 = tpu.memref_squeeze %dma_wait3A_426 : memref<1x128xi32, #tpu.memory_space<vmem>> -> memref<128xi32, #tpu.memory_space<vmem>>
    %dma_wait3A_428 = tpu.memref_slice %arg3[%add3A_99] : memref<32768xi32, #tpu.memory_space<hbm>> -> memref<128xi32, #tpu.memory_space<hbm>>
    %dma_wait3A_429 = tpu.memref_slice %arg9[%dma_wait3A_424] : memref<6x!tpu.dma_semaphore, #tpu.memory_space<semaphore_mem>> -> memref<1x!tpu.dma_semaphore, #tpu.memory_space<semaphore_mem>>
    %dma_wait3A_430 = tpu.memref_squeeze %dma_wait3A_429 : memref<1x!tpu.dma_semaphore, #tpu.memory_space<semaphore_mem>> -> memref<!tpu.dma_semaphore, #tpu.memory_space<semaphore_mem>>
    %dma_wait3A_431 = arith.constant 0 : i32
    %dma_wait3A_432 = tpu.memref_slice %arg6[%dma_wait3A_423, %dma_wait3A_431] : memref<6x128xi32, #tpu.memory_space<vmem>> -> memref<1x128xi32, #tpu.memory_space<vmem>>
    %dma_wait3A_433 = tpu.memref_squeeze %dma_wait3A_432 : memref<1x128xi32, #tpu.memory_space<vmem>> -> memref<128xi32, #tpu.memory_space<vmem>>
    %dma_wait3A_434 = tpu.memref_slice %arg3[%add3A_99] : memref<32768xi32, #tpu.memory_space<hbm>> -> memref<128xi32, #tpu.memory_space<hbm>>
    tpu.wait_dma2 semaphore(%dma_wait3A_430 : memref<!tpu.dma_semaphore, #tpu.memory_space<semaphore_mem>>) src(%dma_wait3A_434 : memref<128xi32, #tpu.memory_space<hbm>>) dst(%dma_wait3A_433 : memref<128xi32, #tpu.memory_space<vmem>>)
    %dma_wait3A_435 = arith.constant 3 : i32
    %dma_wait3A_436 = arith.constant 3 : i32
    %dma_wait3A_437 = arith.constant 0 : i32
    %dma_wait3A_438 = arith.constant 0 : i32
    %dma_wait3A_439 = tpu.memref_slice %arg5[%dma_wait3A_435, %dma_wait3A_437, %dma_wait3A_438] : memref<6x128x128xf32, #tpu.memory_space<vmem>> -> memref<1x128x128xf32, #tpu.memory_space<vmem>>
    %dma_wait3A_440 = tpu.memref_squeeze %dma_wait3A_439 : memref<1x128x128xf32, #tpu.memory_space<vmem>> -> memref<128x128xf32, #tpu.memory_space<vmem>>
    %dma_wait3A_441 = arith.constant 0 : i32
    %dma_wait3A_442 = tpu.memref_slice %arg2[%add3A_99, %dma_wait3A_441] : memref<32768x128xf32, #tpu.memory_space<hbm>> -> memref<128x128xf32, #tpu.memory_space<hbm>>
    %dma_wait3A_443 = tpu.memref_slice %arg9[%dma_wait3A_436] : memref<6x!tpu.dma_semaphore, #tpu.memory_space<semaphore_mem>> -> memref<1x!tpu.dma_semaphore, #tpu.memory_space<semaphore_mem>>
    %dma_wait3A_444 = tpu.memref_squeeze %dma_wait3A_443 : memref<1x!tpu.dma_semaphore, #tpu.memory_space<semaphore_mem>> -> memref<!tpu.dma_semaphore, #tpu.memory_space<semaphore_mem>>
    %dma_wait3A_445 = arith.constant 0 : i32
    %dma_wait3A_446 = arith.constant 0 : i32
    %dma_wait3A_447 = tpu.memref_slice %arg5[%dma_wait3A_435, %dma_wait3A_445, %dma_wait3A_446] : memref<6x128x128xf32, #tpu.memory_space<vmem>> -> memref<1x128x128xf32, #tpu.memory_space<vmem>>
    %dma_wait3A_448 = tpu.memref_squeeze %dma_wait3A_447 : memref<1x128x128xf32, #tpu.memory_space<vmem>> -> memref<128x128xf32, #tpu.memory_space<vmem>>
    %dma_wait3A_449 = arith.constant 0 : i32
    %dma_wait3A_450 = tpu.memref_slice %arg2[%add3A_99, %dma_wait3A_449] : memref<32768x128xf32, #tpu.memory_space<hbm>> -> memref<128x128xf32, #tpu.memory_space<hbm>>
    tpu.wait_dma2 semaphore(%dma_wait3A_444 : memref<!tpu.dma_semaphore, #tpu.memory_space<semaphore_mem>>) src(%dma_wait3A_450 : memref<128x128xf32, #tpu.memory_space<hbm>>) dst(%dma_wait3A_448 : memref<128x128xf32, #tpu.memory_space<vmem>>)
    %dma_start3A_451 = arith.constant 3 : i32
    %dma_start3A_452 = arith.constant 3 : i32
    %dma_start3A_453 = arith.constant 3 : i32
    %dma_start3A_454 = arith.constant 0 : i32
    %dma_start3A_455 = arith.constant 0 : i32
    %dma_start3A_456 = tpu.memref_slice %arg5[%dma_start3A_451, %dma_start3A_454, %dma_start3A_455] : memref<6x128x128xf32, #tpu.memory_space<vmem>> -> memref<1x128x128xf32, #tpu.memory_space<vmem>>
    %dma_start3A_457 = tpu.memref_squeeze %dma_start3A_456 : memref<1x128x128xf32, #tpu.memory_space<vmem>> -> memref<128x128xf32, #tpu.memory_space<vmem>>
    %dma_start3A_458 = arith.constant 0 : i32
    %dma_start3A_459 = tpu.memref_slice %arg6[%dma_start3A_452, %dma_start3A_458] : memref<6x128xi32, #tpu.memory_space<vmem>> -> memref<1x128xi32, #tpu.memory_space<vmem>>
    %dma_start3A_460 = tpu.memref_squeeze %dma_start3A_459 : memref<1x128xi32, #tpu.memory_space<vmem>> -> memref<128xi32, #tpu.memory_space<vmem>>
    %dma_start3A_461 = arith.constant 0 : i32
    %dma_start3A_462 = arith.constant 0 : i32
    %dma_start3A_463 = tpu.memref_slice %arg8[%dma_start3A_461, %dma_start3A_462] : memref<64x128xf32, #tpu.memory_space<vmem_shared>> -> memref<64x128xf32, #tpu.memory_space<vmem_shared>>
    %dma_start3A_464 = tpu.memref_slice %arg10[%dma_start3A_453] : memref<6x!tpu.dma_semaphore, #tpu.memory_space<semaphore_mem>> -> memref<1x!tpu.dma_semaphore, #tpu.memory_space<semaphore_mem>>
    %dma_start3A_465 = tpu.memref_squeeze %dma_start3A_464 : memref<1x!tpu.dma_semaphore, #tpu.memory_space<semaphore_mem>> -> memref<!tpu.dma_semaphore, #tpu.memory_space<semaphore_mem>>
    tpu.enqueue_indirect_dma source(%dma_start3A_457 : memref<128x128xf32, #tpu.memory_space<vmem>>) target(%dma_start3A_463 : memref<64x128xf32, #tpu.memory_space<vmem_shared>>) offsets(%dma_start3A_460 : memref<128xi32, #tpu.memory_space<vmem>>) semaphore(%dma_start3A_465 : memref<!tpu.dma_semaphore, #tpu.memory_space<semaphore_mem>>) {add = true}
    %dma_wait3A_466 = arith.constant 2 : i32
    %dma_wait3A_467 = arith.constant 2 : i32
    %dma_wait3A_468 = arith.constant 2 : i32
    %dma_wait3A_469 = arith.constant 0 : i32
    %dma_wait3A_470 = arith.constant 0 : i32
    %dma_wait3A_471 = tpu.memref_slice %arg5[%dma_wait3A_466, %dma_wait3A_469, %dma_wait3A_470] : memref<6x128x128xf32, #tpu.memory_space<vmem>> -> memref<1x128x128xf32, #tpu.memory_space<vmem>>
    %dma_wait3A_472 = tpu.memref_squeeze %dma_wait3A_471 : memref<1x128x128xf32, #tpu.memory_space<vmem>> -> memref<128x128xf32, #tpu.memory_space<vmem>>
    %dma_wait3A_473 = arith.constant 0 : i32
    %dma_wait3A_474 = tpu.memref_slice %arg6[%dma_wait3A_467, %dma_wait3A_473] : memref<6x128xi32, #tpu.memory_space<vmem>> -> memref<1x128xi32, #tpu.memory_space<vmem>>
    %dma_wait3A_475 = tpu.memref_squeeze %dma_wait3A_474 : memref<1x128xi32, #tpu.memory_space<vmem>> -> memref<128xi32, #tpu.memory_space<vmem>>
    %dma_wait3A_476 = arith.constant 0 : i32
    %dma_wait3A_477 = arith.constant 0 : i32
    %dma_wait3A_478 = tpu.memref_slice %arg8[%dma_wait3A_476, %dma_wait3A_477] : memref<64x128xf32, #tpu.memory_space<vmem_shared>> -> memref<64x128xf32, #tpu.memory_space<vmem_shared>>
    %dma_wait3A_479 = tpu.memref_slice %arg10[%dma_wait3A_468] : memref<6x!tpu.dma_semaphore, #tpu.memory_space<semaphore_mem>> -> memref<1x!tpu.dma_semaphore, #tpu.memory_space<semaphore_mem>>
    %dma_wait3A_480 = tpu.memref_squeeze %dma_wait3A_479 : memref<1x!tpu.dma_semaphore, #tpu.memory_space<semaphore_mem>> -> memref<!tpu.dma_semaphore, #tpu.memory_space<semaphore_mem>>
    tpu.wait_indirect_dma semaphore(%dma_wait3A_480 : memref<!tpu.dma_semaphore, #tpu.memory_space<semaphore_mem>>) src(%dma_wait3A_472 : memref<128x128xf32, #tpu.memory_space<vmem>>) dst(%dma_wait3A_478 : memref<64x128xf32, #tpu.memory_space<vmem_shared>>)
    %dma_wait3A_481 = arith.constant 4 : i32
    %dma_wait3A_482 = arith.constant 4 : i32
    %dma_wait3A_483 = arith.constant 0 : i32
    %dma_wait3A_484 = tpu.memref_slice %arg6[%dma_wait3A_481, %dma_wait3A_483] : memref<6x128xi32, #tpu.memory_space<vmem>> -> memref<1x128xi32, #tpu.memory_space<vmem>>
    %dma_wait3A_485 = tpu.memref_squeeze %dma_wait3A_484 : memref<1x128xi32, #tpu.memory_space<vmem>> -> memref<128xi32, #tpu.memory_space<vmem>>
    %dma_wait3A_486 = tpu.memref_slice %arg3[%add3A_131] : memref<32768xi32, #tpu.memory_space<hbm>> -> memref<128xi32, #tpu.memory_space<hbm>>
    %dma_wait3A_487 = tpu.memref_slice %arg9[%dma_wait3A_482] : memref<6x!tpu.dma_semaphore, #tpu.memory_space<semaphore_mem>> -> memref<1x!tpu.dma_semaphore, #tpu.memory_space<semaphore_mem>>
    %dma_wait3A_488 = tpu.memref_squeeze %dma_wait3A_487 : memref<1x!tpu.dma_semaphore, #tpu.memory_space<semaphore_mem>> -> memref<!tpu.dma_semaphore, #tpu.memory_space<semaphore_mem>>
    %dma_wait3A_489 = arith.constant 0 : i32
    %dma_wait3A_490 = tpu.memref_slice %arg6[%dma_wait3A_481, %dma_wait3A_489] : memref<6x128xi32, #tpu.memory_space<vmem>> -> memref<1x128xi32, #tpu.memory_space<vmem>>
    %dma_wait3A_491 = tpu.memref_squeeze %dma_wait3A_490 : memref<1x128xi32, #tpu.memory_space<vmem>> -> memref<128xi32, #tpu.memory_space<vmem>>
    %dma_wait3A_492 = tpu.memref_slice %arg3[%add3A_131] : memref<32768xi32, #tpu.memory_space<hbm>> -> memref<128xi32, #tpu.memory_space<hbm>>
    tpu.wait_dma2 semaphore(%dma_wait3A_488 : memref<!tpu.dma_semaphore, #tpu.memory_space<semaphore_mem>>) src(%dma_wait3A_492 : memref<128xi32, #tpu.memory_space<hbm>>) dst(%dma_wait3A_491 : memref<128xi32, #tpu.memory_space<vmem>>)
    %dma_wait3A_493 = arith.constant 4 : i32
    %dma_wait3A_494 = arith.constant 4 : i32
    %dma_wait3A_495 = arith.constant 0 : i32
    %dma_wait3A_496 = arith.constant 0 : i32
    %dma_wait3A_497 = tpu.memref_slice %arg5[%dma_wait3A_493, %dma_wait3A_495, %dma_wait3A_496] : memref<6x128x128xf32, #tpu.memory_space<vmem>> -> memref<1x128x128xf32, #tpu.memory_space<vmem>>
    %dma_wait3A_498 = tpu.memref_squeeze %dma_wait3A_497 : memref<1x128x128xf32, #tpu.memory_space<vmem>> -> memref<128x128xf32, #tpu.memory_space<vmem>>
    %dma_wait3A_499 = arith.constant 0 : i32
    %dma_wait3A_500 = tpu.memref_slice %arg2[%add3A_131, %dma_wait3A_499] : memref<32768x128xf32, #tpu.memory_space<hbm>> -> memref<128x128xf32, #tpu.memory_space<hbm>>
    %dma_wait3A_501 = tpu.memref_slice %arg9[%dma_wait3A_494] : memref<6x!tpu.dma_semaphore, #tpu.memory_space<semaphore_mem>> -> memref<1x!tpu.dma_semaphore, #tpu.memory_space<semaphore_mem>>
    %dma_wait3A_502 = tpu.memref_squeeze %dma_wait3A_501 : memref<1x!tpu.dma_semaphore, #tpu.memory_space<semaphore_mem>> -> memref<!tpu.dma_semaphore, #tpu.memory_space<semaphore_mem>>
    %dma_wait3A_503 = arith.constant 0 : i32
    %dma_wait3A_504 = arith.constant 0 : i32
    %dma_wait3A_505 = tpu.memref_slice %arg5[%dma_wait3A_493, %dma_wait3A_503, %dma_wait3A_504] : memref<6x128x128xf32, #tpu.memory_space<vmem>> -> memref<1x128x128xf32, #tpu.memory_space<vmem>>
    %dma_wait3A_506 = tpu.memref_squeeze %dma_wait3A_505 : memref<1x128x128xf32, #tpu.memory_space<vmem>> -> memref<128x128xf32, #tpu.memory_space<vmem>>
    %dma_wait3A_507 = arith.constant 0 : i32
    %dma_wait3A_508 = tpu.memref_slice %arg2[%add3A_131, %dma_wait3A_507] : memref<32768x128xf32, #tpu.memory_space<hbm>> -> memref<128x128xf32, #tpu.memory_space<hbm>>
    tpu.wait_dma2 semaphore(%dma_wait3A_502 : memref<!tpu.dma_semaphore, #tpu.memory_space<semaphore_mem>>) src(%dma_wait3A_508 : memref<128x128xf32, #tpu.memory_space<hbm>>) dst(%dma_wait3A_506 : memref<128x128xf32, #tpu.memory_space<vmem>>)
    %dma_start3A_509 = arith.constant 4 : i32
    %dma_start3A_510 = arith.constant 4 : i32
    %dma_start3A_511 = arith.constant 4 : i32
    %dma_start3A_512 = arith.constant 0 : i32
    %dma_start3A_513 = arith.constant 0 : i32
    %dma_start3A_514 = tpu.memref_slice %arg5[%dma_start3A_509, %dma_start3A_512, %dma_start3A_513] : memref<6x128x128xf32, #tpu.memory_space<vmem>> -> memref<1x128x128xf32, #tpu.memory_space<vmem>>
    %dma_start3A_515 = tpu.memref_squeeze %dma_start3A_514 : memref<1x128x128xf32, #tpu.memory_space<vmem>> -> memref<128x128xf32, #tpu.memory_space<vmem>>
    %dma_start3A_516 = arith.constant 0 : i32
    %dma_start3A_517 = tpu.memref_slice %arg6[%dma_start3A_510, %dma_start3A_516] : memref<6x128xi32, #tpu.memory_space<vmem>> -> memref<1x128xi32, #tpu.memory_space<vmem>>
    %dma_start3A_518 = tpu.memref_squeeze %dma_start3A_517 : memref<1x128xi32, #tpu.memory_space<vmem>> -> memref<128xi32, #tpu.memory_space<vmem>>
    %dma_start3A_519 = arith.constant 0 : i32
    %dma_start3A_520 = arith.constant 0 : i32
    %dma_start3A_521 = tpu.memref_slice %arg8[%dma_start3A_519, %dma_start3A_520] : memref<64x128xf32, #tpu.memory_space<vmem_shared>> -> memref<64x128xf32, #tpu.memory_space<vmem_shared>>
    %dma_start3A_522 = tpu.memref_slice %arg10[%dma_start3A_511] : memref<6x!tpu.dma_semaphore, #tpu.memory_space<semaphore_mem>> -> memref<1x!tpu.dma_semaphore, #tpu.memory_space<semaphore_mem>>
    %dma_start3A_523 = tpu.memref_squeeze %dma_start3A_522 : memref<1x!tpu.dma_semaphore, #tpu.memory_space<semaphore_mem>> -> memref<!tpu.dma_semaphore, #tpu.memory_space<semaphore_mem>>
    tpu.enqueue_indirect_dma source(%dma_start3A_515 : memref<128x128xf32, #tpu.memory_space<vmem>>) target(%dma_start3A_521 : memref<64x128xf32, #tpu.memory_space<vmem_shared>>) offsets(%dma_start3A_518 : memref<128xi32, #tpu.memory_space<vmem>>) semaphore(%dma_start3A_523 : memref<!tpu.dma_semaphore, #tpu.memory_space<semaphore_mem>>) {add = true}
    %dma_wait3A_524 = arith.constant 3 : i32
    %dma_wait3A_525 = arith.constant 3 : i32
    %dma_wait3A_526 = arith.constant 3 : i32
    %dma_wait3A_527 = arith.constant 0 : i32
    %dma_wait3A_528 = arith.constant 0 : i32
    %dma_wait3A_529 = tpu.memref_slice %arg5[%dma_wait3A_524, %dma_wait3A_527, %dma_wait3A_528] : memref<6x128x128xf32, #tpu.memory_space<vmem>> -> memref<1x128x128xf32, #tpu.memory_space<vmem>>
    %dma_wait3A_530 = tpu.memref_squeeze %dma_wait3A_529 : memref<1x128x128xf32, #tpu.memory_space<vmem>> -> memref<128x128xf32, #tpu.memory_space<vmem>>
    %dma_wait3A_531 = arith.constant 0 : i32
    %dma_wait3A_532 = tpu.memref_slice %arg6[%dma_wait3A_525, %dma_wait3A_531] : memref<6x128xi32, #tpu.memory_space<vmem>> -> memref<1x128xi32, #tpu.memory_space<vmem>>
    %dma_wait3A_533 = tpu.memref_squeeze %dma_wait3A_532 : memref<1x128xi32, #tpu.memory_space<vmem>> -> memref<128xi32, #tpu.memory_space<vmem>>
    %dma_wait3A_534 = arith.constant 0 : i32
    %dma_wait3A_535 = arith.constant 0 : i32
    %dma_wait3A_536 = tpu.memref_slice %arg8[%dma_wait3A_534, %dma_wait3A_535] : memref<64x128xf32, #tpu.memory_space<vmem_shared>> -> memref<64x128xf32, #tpu.memory_space<vmem_shared>>
    %dma_wait3A_537 = tpu.memref_slice %arg10[%dma_wait3A_526] : memref<6x!tpu.dma_semaphore, #tpu.memory_space<semaphore_mem>> -> memref<1x!tpu.dma_semaphore, #tpu.memory_space<semaphore_mem>>
    %dma_wait3A_538 = tpu.memref_squeeze %dma_wait3A_537 : memref<1x!tpu.dma_semaphore, #tpu.memory_space<semaphore_mem>> -> memref<!tpu.dma_semaphore, #tpu.memory_space<semaphore_mem>>
    tpu.wait_indirect_dma semaphore(%dma_wait3A_538 : memref<!tpu.dma_semaphore, #tpu.memory_space<semaphore_mem>>) src(%dma_wait3A_530 : memref<128x128xf32, #tpu.memory_space<vmem>>) dst(%dma_wait3A_536 : memref<64x128xf32, #tpu.memory_space<vmem_shared>>)
    %dma_wait3A_539 = arith.constant 5 : i32
    %dma_wait3A_540 = arith.constant 5 : i32
    %dma_wait3A_541 = arith.constant 0 : i32
    %dma_wait3A_542 = tpu.memref_slice %arg6[%dma_wait3A_539, %dma_wait3A_541] : memref<6x128xi32, #tpu.memory_space<vmem>> -> memref<1x128xi32, #tpu.memory_space<vmem>>
    %dma_wait3A_543 = tpu.memref_squeeze %dma_wait3A_542 : memref<1x128xi32, #tpu.memory_space<vmem>> -> memref<128xi32, #tpu.memory_space<vmem>>
    %dma_wait3A_544 = tpu.memref_slice %arg3[%add3A_163] : memref<32768xi32, #tpu.memory_space<hbm>> -> memref<128xi32, #tpu.memory_space<hbm>>
    %dma_wait3A_545 = tpu.memref_slice %arg9[%dma_wait3A_540] : memref<6x!tpu.dma_semaphore, #tpu.memory_space<semaphore_mem>> -> memref<1x!tpu.dma_semaphore, #tpu.memory_space<semaphore_mem>>
    %dma_wait3A_546 = tpu.memref_squeeze %dma_wait3A_545 : memref<1x!tpu.dma_semaphore, #tpu.memory_space<semaphore_mem>> -> memref<!tpu.dma_semaphore, #tpu.memory_space<semaphore_mem>>
    %dma_wait3A_547 = arith.constant 0 : i32
    %dma_wait3A_548 = tpu.memref_slice %arg6[%dma_wait3A_539, %dma_wait3A_547] : memref<6x128xi32, #tpu.memory_space<vmem>> -> memref<1x128xi32, #tpu.memory_space<vmem>>
    %dma_wait3A_549 = tpu.memref_squeeze %dma_wait3A_548 : memref<1x128xi32, #tpu.memory_space<vmem>> -> memref<128xi32, #tpu.memory_space<vmem>>
    %dma_wait3A_550 = tpu.memref_slice %arg3[%add3A_163] : memref<32768xi32, #tpu.memory_space<hbm>> -> memref<128xi32, #tpu.memory_space<hbm>>
    tpu.wait_dma2 semaphore(%dma_wait3A_546 : memref<!tpu.dma_semaphore, #tpu.memory_space<semaphore_mem>>) src(%dma_wait3A_550 : memref<128xi32, #tpu.memory_space<hbm>>) dst(%dma_wait3A_549 : memref<128xi32, #tpu.memory_space<vmem>>)
    %dma_wait3A_551 = arith.constant 5 : i32
    %dma_wait3A_552 = arith.constant 5 : i32
    %dma_wait3A_553 = arith.constant 0 : i32
    %dma_wait3A_554 = arith.constant 0 : i32
    %dma_wait3A_555 = tpu.memref_slice %arg5[%dma_wait3A_551, %dma_wait3A_553, %dma_wait3A_554] : memref<6x128x128xf32, #tpu.memory_space<vmem>> -> memref<1x128x128xf32, #tpu.memory_space<vmem>>
    %dma_wait3A_556 = tpu.memref_squeeze %dma_wait3A_555 : memref<1x128x128xf32, #tpu.memory_space<vmem>> -> memref<128x128xf32, #tpu.memory_space<vmem>>
    %dma_wait3A_557 = arith.constant 0 : i32
    %dma_wait3A_558 = tpu.memref_slice %arg2[%add3A_163, %dma_wait3A_557] : memref<32768x128xf32, #tpu.memory_space<hbm>> -> memref<128x128xf32, #tpu.memory_space<hbm>>
    %dma_wait3A_559 = tpu.memref_slice %arg9[%dma_wait3A_552] : memref<6x!tpu.dma_semaphore, #tpu.memory_space<semaphore_mem>> -> memref<1x!tpu.dma_semaphore, #tpu.memory_space<semaphore_mem>>
    %dma_wait3A_560 = tpu.memref_squeeze %dma_wait3A_559 : memref<1x!tpu.dma_semaphore, #tpu.memory_space<semaphore_mem>> -> memref<!tpu.dma_semaphore, #tpu.memory_space<semaphore_mem>>
    %dma_wait3A_561 = arith.constant 0 : i32
    %dma_wait3A_562 = arith.constant 0 : i32
    %dma_wait3A_563 = tpu.memref_slice %arg5[%dma_wait3A_551, %dma_wait3A_561, %dma_wait3A_562] : memref<6x128x128xf32, #tpu.memory_space<vmem>> -> memref<1x128x128xf32, #tpu.memory_space<vmem>>
    %dma_wait3A_564 = tpu.memref_squeeze %dma_wait3A_563 : memref<1x128x128xf32, #tpu.memory_space<vmem>> -> memref<128x128xf32, #tpu.memory_space<vmem>>
    %dma_wait3A_565 = arith.constant 0 : i32
    %dma_wait3A_566 = tpu.memref_slice %arg2[%add3A_163, %dma_wait3A_565] : memref<32768x128xf32, #tpu.memory_space<hbm>> -> memref<128x128xf32, #tpu.memory_space<hbm>>
    tpu.wait_dma2 semaphore(%dma_wait3A_560 : memref<!tpu.dma_semaphore, #tpu.memory_space<semaphore_mem>>) src(%dma_wait3A_566 : memref<128x128xf32, #tpu.memory_space<hbm>>) dst(%dma_wait3A_564 : memref<128x128xf32, #tpu.memory_space<vmem>>)
    %dma_start3A_567 = arith.constant 5 : i32
    %dma_start3A_568 = arith.constant 5 : i32
    %dma_start3A_569 = arith.constant 5 : i32
    %dma_start3A_570 = arith.constant 0 : i32
    %dma_start3A_571 = arith.constant 0 : i32
    %dma_start3A_572 = tpu.memref_slice %arg5[%dma_start3A_567, %dma_start3A_570, %dma_start3A_571] : memref<6x128x128xf32, #tpu.memory_space<vmem>> -> memref<1x128x128xf32, #tpu.memory_space<vmem>>
    %dma_start3A_573 = tpu.memref_squeeze %dma_start3A_572 : memref<1x128x128xf32, #tpu.memory_space<vmem>> -> memref<128x128xf32, #tpu.memory_space<vmem>>
    %dma_start3A_574 = arith.constant 0 : i32
    %dma_start3A_575 = tpu.memref_slice %arg6[%dma_start3A_568, %dma_start3A_574] : memref<6x128xi32, #tpu.memory_space<vmem>> -> memref<1x128xi32, #tpu.memory_space<vmem>>
    %dma_start3A_576 = tpu.memref_squeeze %dma_start3A_575 : memref<1x128xi32, #tpu.memory_space<vmem>> -> memref<128xi32, #tpu.memory_space<vmem>>
    %dma_start3A_577 = arith.constant 0 : i32
    %dma_start3A_578 = arith.constant 0 : i32
    %dma_start3A_579 = tpu.memref_slice %arg8[%dma_start3A_577, %dma_start3A_578] : memref<64x128xf32, #tpu.memory_space<vmem_shared>> -> memref<64x128xf32, #tpu.memory_space<vmem_shared>>
    %dma_start3A_580 = tpu.memref_slice %arg10[%dma_start3A_569] : memref<6x!tpu.dma_semaphore, #tpu.memory_space<semaphore_mem>> -> memref<1x!tpu.dma_semaphore, #tpu.memory_space<semaphore_mem>>
    %dma_start3A_581 = tpu.memref_squeeze %dma_start3A_580 : memref<1x!tpu.dma_semaphore, #tpu.memory_space<semaphore_mem>> -> memref<!tpu.dma_semaphore, #tpu.memory_space<semaphore_mem>>
    tpu.enqueue_indirect_dma source(%dma_start3A_573 : memref<128x128xf32, #tpu.memory_space<vmem>>) target(%dma_start3A_579 : memref<64x128xf32, #tpu.memory_space<vmem_shared>>) offsets(%dma_start3A_576 : memref<128xi32, #tpu.memory_space<vmem>>) semaphore(%dma_start3A_581 : memref<!tpu.dma_semaphore, #tpu.memory_space<semaphore_mem>>) {add = true}
    %dma_wait3A_582 = arith.constant 4 : i32
    %dma_wait3A_583 = arith.constant 4 : i32
    %dma_wait3A_584 = arith.constant 4 : i32
    %dma_wait3A_585 = arith.constant 0 : i32
    %dma_wait3A_586 = arith.constant 0 : i32
    %dma_wait3A_587 = tpu.memref_slice %arg5[%dma_wait3A_582, %dma_wait3A_585, %dma_wait3A_586] : memref<6x128x128xf32, #tpu.memory_space<vmem>> -> memref<1x128x128xf32, #tpu.memory_space<vmem>>
    %dma_wait3A_588 = tpu.memref_squeeze %dma_wait3A_587 : memref<1x128x128xf32, #tpu.memory_space<vmem>> -> memref<128x128xf32, #tpu.memory_space<vmem>>
    %dma_wait3A_589 = arith.constant 0 : i32
    %dma_wait3A_590 = tpu.memref_slice %arg6[%dma_wait3A_583, %dma_wait3A_589] : memref<6x128xi32, #tpu.memory_space<vmem>> -> memref<1x128xi32, #tpu.memory_space<vmem>>
    %dma_wait3A_591 = tpu.memref_squeeze %dma_wait3A_590 : memref<1x128xi32, #tpu.memory_space<vmem>> -> memref<128xi32, #tpu.memory_space<vmem>>
    %dma_wait3A_592 = arith.constant 0 : i32
    %dma_wait3A_593 = arith.constant 0 : i32
    %dma_wait3A_594 = tpu.memref_slice %arg8[%dma_wait3A_592, %dma_wait3A_593] : memref<64x128xf32, #tpu.memory_space<vmem_shared>> -> memref<64x128xf32, #tpu.memory_space<vmem_shared>>
    %dma_wait3A_595 = tpu.memref_slice %arg10[%dma_wait3A_584] : memref<6x!tpu.dma_semaphore, #tpu.memory_space<semaphore_mem>> -> memref<1x!tpu.dma_semaphore, #tpu.memory_space<semaphore_mem>>
    %dma_wait3A_596 = tpu.memref_squeeze %dma_wait3A_595 : memref<1x!tpu.dma_semaphore, #tpu.memory_space<semaphore_mem>> -> memref<!tpu.dma_semaphore, #tpu.memory_space<semaphore_mem>>
    tpu.wait_indirect_dma semaphore(%dma_wait3A_596 : memref<!tpu.dma_semaphore, #tpu.memory_space<semaphore_mem>>) src(%dma_wait3A_588 : memref<128x128xf32, #tpu.memory_space<vmem>>) dst(%dma_wait3A_594 : memref<64x128xf32, #tpu.memory_space<vmem_shared>>)
    %dma_wait3A_597 = arith.constant 0 : i32
    %dma_wait3A_598 = arith.constant 0 : i32
    %dma_wait3A_599 = arith.constant 0 : i32
    %dma_wait3A_600 = tpu.memref_slice %arg6[%dma_wait3A_597, %dma_wait3A_599] : memref<6x128xi32, #tpu.memory_space<vmem>> -> memref<1x128xi32, #tpu.memory_space<vmem>>
    %dma_wait3A_601 = tpu.memref_squeeze %dma_wait3A_600 : memref<1x128xi32, #tpu.memory_space<vmem>> -> memref<128xi32, #tpu.memory_space<vmem>>
    %dma_wait3A_602 = tpu.memref_slice %arg3[%add3A_304] : memref<32768xi32, #tpu.memory_space<hbm>> -> memref<128xi32, #tpu.memory_space<hbm>>
    %dma_wait3A_603 = tpu.memref_slice %arg9[%dma_wait3A_598] : memref<6x!tpu.dma_semaphore, #tpu.memory_space<semaphore_mem>> -> memref<1x!tpu.dma_semaphore, #tpu.memory_space<semaphore_mem>>
    %dma_wait3A_604 = tpu.memref_squeeze %dma_wait3A_603 : memref<1x!tpu.dma_semaphore, #tpu.memory_space<semaphore_mem>> -> memref<!tpu.dma_semaphore, #tpu.memory_space<semaphore_mem>>
    %dma_wait3A_605 = arith.constant 0 : i32
    %dma_wait3A_606 = tpu.memref_slice %arg6[%dma_wait3A_597, %dma_wait3A_605] : memref<6x128xi32, #tpu.memory_space<vmem>> -> memref<1x128xi32, #tpu.memory_space<vmem>>
    %dma_wait3A_607 = tpu.memref_squeeze %dma_wait3A_606 : memref<1x128xi32, #tpu.memory_space<vmem>> -> memref<128xi32, #tpu.memory_space<vmem>>
    %dma_wait3A_608 = tpu.memref_slice %arg3[%add3A_304] : memref<32768xi32, #tpu.memory_space<hbm>> -> memref<128xi32, #tpu.memory_space<hbm>>
    tpu.wait_dma2 semaphore(%dma_wait3A_604 : memref<!tpu.dma_semaphore, #tpu.memory_space<semaphore_mem>>) src(%dma_wait3A_608 : memref<128xi32, #tpu.memory_space<hbm>>) dst(%dma_wait3A_607 : memref<128xi32, #tpu.memory_space<vmem>>)
    %dma_wait3A_609 = arith.constant 0 : i32
    %dma_wait3A_610 = arith.constant 0 : i32
    %dma_wait3A_611 = arith.constant 0 : i32
    %dma_wait3A_612 = arith.constant 0 : i32
    %dma_wait3A_613 = tpu.memref_slice %arg5[%dma_wait3A_609, %dma_wait3A_611, %dma_wait3A_612] : memref<6x128x128xf32, #tpu.memory_space<vmem>> -> memref<1x128x128xf32, #tpu.memory_space<vmem>>
    %dma_wait3A_614 = tpu.memref_squeeze %dma_wait3A_613 : memref<1x128x128xf32, #tpu.memory_space<vmem>> -> memref<128x128xf32, #tpu.memory_space<vmem>>
    %dma_wait3A_615 = arith.constant 0 : i32
    %dma_wait3A_616 = tpu.memref_slice %arg2[%add3A_304, %dma_wait3A_615] : memref<32768x128xf32, #tpu.memory_space<hbm>> -> memref<128x128xf32, #tpu.memory_space<hbm>>
    %dma_wait3A_617 = tpu.memref_slice %arg9[%dma_wait3A_610] : memref<6x!tpu.dma_semaphore, #tpu.memory_space<semaphore_mem>> -> memref<1x!tpu.dma_semaphore, #tpu.memory_space<semaphore_mem>>
    %dma_wait3A_618 = tpu.memref_squeeze %dma_wait3A_617 : memref<1x!tpu.dma_semaphore, #tpu.memory_space<semaphore_mem>> -> memref<!tpu.dma_semaphore, #tpu.memory_space<semaphore_mem>>
    %dma_wait3A_619 = arith.constant 0 : i32
    %dma_wait3A_620 = arith.constant 0 : i32
    %dma_wait3A_621 = tpu.memref_slice %arg5[%dma_wait3A_609, %dma_wait3A_619, %dma_wait3A_620] : memref<6x128x128xf32, #tpu.memory_space<vmem>> -> memref<1x128x128xf32, #tpu.memory_space<vmem>>
    %dma_wait3A_622 = tpu.memref_squeeze %dma_wait3A_621 : memref<1x128x128xf32, #tpu.memory_space<vmem>> -> memref<128x128xf32, #tpu.memory_space<vmem>>
    %dma_wait3A_623 = arith.constant 0 : i32
    %dma_wait3A_624 = tpu.memref_slice %arg2[%add3A_304, %dma_wait3A_623] : memref<32768x128xf32, #tpu.memory_space<hbm>> -> memref<128x128xf32, #tpu.memory_space<hbm>>
    tpu.wait_dma2 semaphore(%dma_wait3A_618 : memref<!tpu.dma_semaphore, #tpu.memory_space<semaphore_mem>>) src(%dma_wait3A_624 : memref<128x128xf32, #tpu.memory_space<hbm>>) dst(%dma_wait3A_622 : memref<128x128xf32, #tpu.memory_space<vmem>>)
    %dma_start3A_625 = arith.constant 0 : i32
    %dma_start3A_626 = arith.constant 0 : i32
    %dma_start3A_627 = arith.constant 0 : i32
    %dma_start3A_628 = arith.constant 0 : i32
    %dma_start3A_629 = arith.constant 0 : i32
    %dma_start3A_630 = tpu.memref_slice %arg5[%dma_start3A_625, %dma_start3A_628, %dma_start3A_629] : memref<6x128x128xf32, #tpu.memory_space<vmem>> -> memref<1x128x128xf32, #tpu.memory_space<vmem>>
    %dma_start3A_631 = tpu.memref_squeeze %dma_start3A_630 : memref<1x128x128xf32, #tpu.memory_space<vmem>> -> memref<128x128xf32, #tpu.memory_space<vmem>>
    %dma_start3A_632 = arith.constant 0 : i32
    %dma_start3A_633 = tpu.memref_slice %arg6[%dma_start3A_626, %dma_start3A_632] : memref<6x128xi32, #tpu.memory_space<vmem>> -> memref<1x128xi32, #tpu.memory_space<vmem>>
    %dma_start3A_634 = tpu.memref_squeeze %dma_start3A_633 : memref<1x128xi32, #tpu.memory_space<vmem>> -> memref<128xi32, #tpu.memory_space<vmem>>
    %dma_start3A_635 = arith.constant 0 : i32
    %dma_start3A_636 = arith.constant 0 : i32
    %dma_start3A_637 = tpu.memref_slice %arg8[%dma_start3A_635, %dma_start3A_636] : memref<64x128xf32, #tpu.memory_space<vmem_shared>> -> memref<64x128xf32, #tpu.memory_space<vmem_shared>>
    %dma_start3A_638 = tpu.memref_slice %arg10[%dma_start3A_627] : memref<6x!tpu.dma_semaphore, #tpu.memory_space<semaphore_mem>> -> memref<1x!tpu.dma_semaphore, #tpu.memory_space<semaphore_mem>>
    %dma_start3A_639 = tpu.memref_squeeze %dma_start3A_638 : memref<1x!tpu.dma_semaphore, #tpu.memory_space<semaphore_mem>> -> memref<!tpu.dma_semaphore, #tpu.memory_space<semaphore_mem>>
    tpu.enqueue_indirect_dma source(%dma_start3A_631 : memref<128x128xf32, #tpu.memory_space<vmem>>) target(%dma_start3A_637 : memref<64x128xf32, #tpu.memory_space<vmem_shared>>) offsets(%dma_start3A_634 : memref<128xi32, #tpu.memory_space<vmem>>) semaphore(%dma_start3A_639 : memref<!tpu.dma_semaphore, #tpu.memory_space<semaphore_mem>>) {add = true}
    %dma_wait3A_640 = arith.constant 5 : i32
    %dma_wait3A_641 = arith.constant 5 : i32
    %dma_wait3A_642 = arith.constant 5 : i32
    %dma_wait3A_643 = arith.constant 0 : i32
    %dma_wait3A_644 = arith.constant 0 : i32
    %dma_wait3A_645 = tpu.memref_slice %arg5[%dma_wait3A_640, %dma_wait3A_643, %dma_wait3A_644] : memref<6x128x128xf32, #tpu.memory_space<vmem>> -> memref<1x128x128xf32, #tpu.memory_space<vmem>>
    %dma_wait3A_646 = tpu.memref_squeeze %dma_wait3A_645 : memref<1x128x128xf32, #tpu.memory_space<vmem>> -> memref<128x128xf32, #tpu.memory_space<vmem>>
    %dma_wait3A_647 = arith.constant 0 : i32
    %dma_wait3A_648 = tpu.memref_slice %arg6[%dma_wait3A_641, %dma_wait3A_647] : memref<6x128xi32, #tpu.memory_space<vmem>> -> memref<1x128xi32, #tpu.memory_space<vmem>>
    %dma_wait3A_649 = tpu.memref_squeeze %dma_wait3A_648 : memref<1x128xi32, #tpu.memory_space<vmem>> -> memref<128xi32, #tpu.memory_space<vmem>>
    %dma_wait3A_650 = arith.constant 0 : i32
    %dma_wait3A_651 = arith.constant 0 : i32
    %dma_wait3A_652 = tpu.memref_slice %arg8[%dma_wait3A_650, %dma_wait3A_651] : memref<64x128xf32, #tpu.memory_space<vmem_shared>> -> memref<64x128xf32, #tpu.memory_space<vmem_shared>>
    %dma_wait3A_653 = tpu.memref_slice %arg10[%dma_wait3A_642] : memref<6x!tpu.dma_semaphore, #tpu.memory_space<semaphore_mem>> -> memref<1x!tpu.dma_semaphore, #tpu.memory_space<semaphore_mem>>
    %dma_wait3A_654 = tpu.memref_squeeze %dma_wait3A_653 : memref<1x!tpu.dma_semaphore, #tpu.memory_space<semaphore_mem>> -> memref<!tpu.dma_semaphore, #tpu.memory_space<semaphore_mem>>
    tpu.wait_indirect_dma semaphore(%dma_wait3A_654 : memref<!tpu.dma_semaphore, #tpu.memory_space<semaphore_mem>>) src(%dma_wait3A_646 : memref<128x128xf32, #tpu.memory_space<vmem>>) dst(%dma_wait3A_652 : memref<64x128xf32, #tpu.memory_space<vmem_shared>>)
    %dma_wait3A_655 = arith.constant 1 : i32
    %dma_wait3A_656 = arith.constant 1 : i32
    %dma_wait3A_657 = arith.constant 0 : i32
    %dma_wait3A_658 = tpu.memref_slice %arg6[%dma_wait3A_655, %dma_wait3A_657] : memref<6x128xi32, #tpu.memory_space<vmem>> -> memref<1x128xi32, #tpu.memory_space<vmem>>
    %dma_wait3A_659 = tpu.memref_squeeze %dma_wait3A_658 : memref<1x128xi32, #tpu.memory_space<vmem>> -> memref<128xi32, #tpu.memory_space<vmem>>
    %dma_wait3A_660 = tpu.memref_slice %arg3[%add3A_394] : memref<32768xi32, #tpu.memory_space<hbm>> -> memref<128xi32, #tpu.memory_space<hbm>>
    %dma_wait3A_661 = tpu.memref_slice %arg9[%dma_wait3A_656] : memref<6x!tpu.dma_semaphore, #tpu.memory_space<semaphore_mem>> -> memref<1x!tpu.dma_semaphore, #tpu.memory_space<semaphore_mem>>
    %dma_wait3A_662 = tpu.memref_squeeze %dma_wait3A_661 : memref<1x!tpu.dma_semaphore, #tpu.memory_space<semaphore_mem>> -> memref<!tpu.dma_semaphore, #tpu.memory_space<semaphore_mem>>
    %dma_wait3A_663 = arith.constant 0 : i32
    %dma_wait3A_664 = tpu.memref_slice %arg6[%dma_wait3A_655, %dma_wait3A_663] : memref<6x128xi32, #tpu.memory_space<vmem>> -> memref<1x128xi32, #tpu.memory_space<vmem>>
    %dma_wait3A_665 = tpu.memref_squeeze %dma_wait3A_664 : memref<1x128xi32, #tpu.memory_space<vmem>> -> memref<128xi32, #tpu.memory_space<vmem>>
    %dma_wait3A_666 = tpu.memref_slice %arg3[%add3A_394] : memref<32768xi32, #tpu.memory_space<hbm>> -> memref<128xi32, #tpu.memory_space<hbm>>
    tpu.wait_dma2 semaphore(%dma_wait3A_662 : memref<!tpu.dma_semaphore, #tpu.memory_space<semaphore_mem>>) src(%dma_wait3A_666 : memref<128xi32, #tpu.memory_space<hbm>>) dst(%dma_wait3A_665 : memref<128xi32, #tpu.memory_space<vmem>>)
    %dma_wait3A_667 = arith.constant 1 : i32
    %dma_wait3A_668 = arith.constant 1 : i32
    %dma_wait3A_669 = arith.constant 0 : i32
    %dma_wait3A_670 = arith.constant 0 : i32
    %dma_wait3A_671 = tpu.memref_slice %arg5[%dma_wait3A_667, %dma_wait3A_669, %dma_wait3A_670] : memref<6x128x128xf32, #tpu.memory_space<vmem>> -> memref<1x128x128xf32, #tpu.memory_space<vmem>>
    %dma_wait3A_672 = tpu.memref_squeeze %dma_wait3A_671 : memref<1x128x128xf32, #tpu.memory_space<vmem>> -> memref<128x128xf32, #tpu.memory_space<vmem>>
    %dma_wait3A_673 = arith.constant 0 : i32
    %dma_wait3A_674 = tpu.memref_slice %arg2[%add3A_394, %dma_wait3A_673] : memref<32768x128xf32, #tpu.memory_space<hbm>> -> memref<128x128xf32, #tpu.memory_space<hbm>>
    %dma_wait3A_675 = tpu.memref_slice %arg9[%dma_wait3A_668] : memref<6x!tpu.dma_semaphore, #tpu.memory_space<semaphore_mem>> -> memref<1x!tpu.dma_semaphore, #tpu.memory_space<semaphore_mem>>
    %dma_wait3A_676 = tpu.memref_squeeze %dma_wait3A_675 : memref<1x!tpu.dma_semaphore, #tpu.memory_space<semaphore_mem>> -> memref<!tpu.dma_semaphore, #tpu.memory_space<semaphore_mem>>
    %dma_wait3A_677 = arith.constant 0 : i32
    %dma_wait3A_678 = arith.constant 0 : i32
    %dma_wait3A_679 = tpu.memref_slice %arg5[%dma_wait3A_667, %dma_wait3A_677, %dma_wait3A_678] : memref<6x128x128xf32, #tpu.memory_space<vmem>> -> memref<1x128x128xf32, #tpu.memory_space<vmem>>
    %dma_wait3A_680 = tpu.memref_squeeze %dma_wait3A_679 : memref<1x128x128xf32, #tpu.memory_space<vmem>> -> memref<128x128xf32, #tpu.memory_space<vmem>>
    %dma_wait3A_681 = arith.constant 0 : i32
    %dma_wait3A_682 = tpu.memref_slice %arg2[%add3A_394, %dma_wait3A_681] : memref<32768x128xf32, #tpu.memory_space<hbm>> -> memref<128x128xf32, #tpu.memory_space<hbm>>
    tpu.wait_dma2 semaphore(%dma_wait3A_676 : memref<!tpu.dma_semaphore, #tpu.memory_space<semaphore_mem>>) src(%dma_wait3A_682 : memref<128x128xf32, #tpu.memory_space<hbm>>) dst(%dma_wait3A_680 : memref<128x128xf32, #tpu.memory_space<vmem>>)
    %dma_start3A_683 = arith.constant 1 : i32
    %dma_start3A_684 = arith.constant 1 : i32
    %dma_start3A_685 = arith.constant 1 : i32
    %dma_start3A_686 = arith.constant 0 : i32
    %dma_start3A_687 = arith.constant 0 : i32
    %dma_start3A_688 = tpu.memref_slice %arg5[%dma_start3A_683, %dma_start3A_686, %dma_start3A_687] : memref<6x128x128xf32, #tpu.memory_space<vmem>> -> memref<1x128x128xf32, #tpu.memory_space<vmem>>
    %dma_start3A_689 = tpu.memref_squeeze %dma_start3A_688 : memref<1x128x128xf32, #tpu.memory_space<vmem>> -> memref<128x128xf32, #tpu.memory_space<vmem>>
    %dma_start3A_690 = arith.constant 0 : i32
    %dma_start3A_691 = tpu.memref_slice %arg6[%dma_start3A_684, %dma_start3A_690] : memref<6x128xi32, #tpu.memory_space<vmem>> -> memref<1x128xi32, #tpu.memory_space<vmem>>
    %dma_start3A_692 = tpu.memref_squeeze %dma_start3A_691 : memref<1x128xi32, #tpu.memory_space<vmem>> -> memref<128xi32, #tpu.memory_space<vmem>>
    %dma_start3A_693 = arith.constant 0 : i32
    %dma_start3A_694 = arith.constant 0 : i32
    %dma_start3A_695 = tpu.memref_slice %arg8[%dma_start3A_693, %dma_start3A_694] : memref<64x128xf32, #tpu.memory_space<vmem_shared>> -> memref<64x128xf32, #tpu.memory_space<vmem_shared>>
    %dma_start3A_696 = tpu.memref_slice %arg10[%dma_start3A_685] : memref<6x!tpu.dma_semaphore, #tpu.memory_space<semaphore_mem>> -> memref<1x!tpu.dma_semaphore, #tpu.memory_space<semaphore_mem>>
    %dma_start3A_697 = tpu.memref_squeeze %dma_start3A_696 : memref<1x!tpu.dma_semaphore, #tpu.memory_space<semaphore_mem>> -> memref<!tpu.dma_semaphore, #tpu.memory_space<semaphore_mem>>
    tpu.enqueue_indirect_dma source(%dma_start3A_689 : memref<128x128xf32, #tpu.memory_space<vmem>>) target(%dma_start3A_695 : memref<64x128xf32, #tpu.memory_space<vmem_shared>>) offsets(%dma_start3A_692 : memref<128xi32, #tpu.memory_space<vmem>>) semaphore(%dma_start3A_697 : memref<!tpu.dma_semaphore, #tpu.memory_space<semaphore_mem>>) {add = true}
    %dma_wait3A_698 = arith.constant 0 : i32
    %dma_wait3A_699 = arith.constant 0 : i32
    %dma_wait3A_700 = arith.constant 0 : i32
    %dma_wait3A_701 = arith.constant 0 : i32
    %dma_wait3A_702 = arith.constant 0 : i32
    %dma_wait3A_703 = tpu.memref_slice %arg5[%dma_wait3A_698, %dma_wait3A_701, %dma_wait3A_702] : memref<6x128x128xf32, #tpu.memory_space<vmem>> -> memref<1x128x128xf32, #tpu.memory_space<vmem>>
    %dma_wait3A_704 = tpu.memref_squeeze %dma_wait3A_703 : memref<1x128x128xf32, #tpu.memory_space<vmem>> -> memref<128x128xf32, #tpu.memory_space<vmem>>
    %dma_wait3A_705 = arith.constant 0 : i32
    %dma_wait3A_706 = tpu.memref_slice %arg6[%dma_wait3A_699, %dma_wait3A_705] : memref<6x128xi32, #tpu.memory_space<vmem>> -> memref<1x128xi32, #tpu.memory_space<vmem>>
    %dma_wait3A_707 = tpu.memref_squeeze %dma_wait3A_706 : memref<1x128xi32, #tpu.memory_space<vmem>> -> memref<128xi32, #tpu.memory_space<vmem>>
    %dma_wait3A_708 = arith.constant 0 : i32
    %dma_wait3A_709 = arith.constant 0 : i32
    %dma_wait3A_710 = tpu.memref_slice %arg8[%dma_wait3A_708, %dma_wait3A_709] : memref<64x128xf32, #tpu.memory_space<vmem_shared>> -> memref<64x128xf32, #tpu.memory_space<vmem_shared>>
    %dma_wait3A_711 = tpu.memref_slice %arg10[%dma_wait3A_700] : memref<6x!tpu.dma_semaphore, #tpu.memory_space<semaphore_mem>> -> memref<1x!tpu.dma_semaphore, #tpu.memory_space<semaphore_mem>>
    %dma_wait3A_712 = tpu.memref_squeeze %dma_wait3A_711 : memref<1x!tpu.dma_semaphore, #tpu.memory_space<semaphore_mem>> -> memref<!tpu.dma_semaphore, #tpu.memory_space<semaphore_mem>>
    tpu.wait_indirect_dma semaphore(%dma_wait3A_712 : memref<!tpu.dma_semaphore, #tpu.memory_space<semaphore_mem>>) src(%dma_wait3A_704 : memref<128x128xf32, #tpu.memory_space<vmem>>) dst(%dma_wait3A_710 : memref<64x128xf32, #tpu.memory_space<vmem_shared>>)
    %dma_wait3A_713 = arith.constant 1 : i32
    %dma_wait3A_714 = arith.constant 1 : i32
    %dma_wait3A_715 = arith.constant 1 : i32
    %dma_wait3A_716 = arith.constant 0 : i32
    %dma_wait3A_717 = arith.constant 0 : i32
    %dma_wait3A_718 = tpu.memref_slice %arg5[%dma_wait3A_713, %dma_wait3A_716, %dma_wait3A_717] : memref<6x128x128xf32, #tpu.memory_space<vmem>> -> memref<1x128x128xf32, #tpu.memory_space<vmem>>
    %dma_wait3A_719 = tpu.memref_squeeze %dma_wait3A_718 : memref<1x128x128xf32, #tpu.memory_space<vmem>> -> memref<128x128xf32, #tpu.memory_space<vmem>>
    %dma_wait3A_720 = arith.constant 0 : i32
    %dma_wait3A_721 = tpu.memref_slice %arg6[%dma_wait3A_714, %dma_wait3A_720] : memref<6x128xi32, #tpu.memory_space<vmem>> -> memref<1x128xi32, #tpu.memory_space<vmem>>
    %dma_wait3A_722 = tpu.memref_squeeze %dma_wait3A_721 : memref<1x128xi32, #tpu.memory_space<vmem>> -> memref<128xi32, #tpu.memory_space<vmem>>
    %dma_wait3A_723 = arith.constant 0 : i32
    %dma_wait3A_724 = arith.constant 0 : i32
    %dma_wait3A_725 = tpu.memref_slice %arg8[%dma_wait3A_723, %dma_wait3A_724] : memref<64x128xf32, #tpu.memory_space<vmem_shared>> -> memref<64x128xf32, #tpu.memory_space<vmem_shared>>
    %dma_wait3A_726 = tpu.memref_slice %arg10[%dma_wait3A_715] : memref<6x!tpu.dma_semaphore, #tpu.memory_space<semaphore_mem>> -> memref<1x!tpu.dma_semaphore, #tpu.memory_space<semaphore_mem>>
    %dma_wait3A_727 = tpu.memref_squeeze %dma_wait3A_726 : memref<1x!tpu.dma_semaphore, #tpu.memory_space<semaphore_mem>> -> memref<!tpu.dma_semaphore, #tpu.memory_space<semaphore_mem>>
    tpu.wait_indirect_dma semaphore(%dma_wait3A_727 : memref<!tpu.dma_semaphore, #tpu.memory_space<semaphore_mem>>) src(%dma_wait3A_719 : memref<128x128xf32, #tpu.memory_space<vmem>>) dst(%dma_wait3A_725 : memref<64x128xf32, #tpu.memory_space<vmem_shared>>)
    %barrier3A_728 = arith.constant 0 : index
    tpu.barrier barrier_id(%barrier3A_728)
    %eq3A = arith.constant 0 : i32
    %eq3A_729 = arith.cmpi eq, %arg1, %eq3A : i32
    %convert_element_type3A = arith.extui %eq3A_729 : i1 to i32
    %cond3A = arith.constant 0 : i32
    %cond3A_730 = arith.cmpi ne, %convert_element_type3A, %cond3A : i32
    scf.if %cond3A_730 {
      "tpu.region"() ({
        %run_scoped3A = tpu.sem_alloc : memref<!tpu.dma_semaphore, #tpu.memory_space<semaphore_mem>>
        %dma_start3A_731 = arith.constant 0 : i32
        %dma_start3A_732 = arith.constant 0 : i32
        %dma_start3A_733 = tpu.memref_slice %arg4[%arg0, %dma_start3A_731, %dma_start3A_732] : memref<2x64x128xf32, #tpu.memory_space<hbm>> -> memref<1x64x128xf32, #tpu.memory_space<hbm>>
        %dma_start3A_734 = tpu.memref_squeeze %dma_start3A_733 : memref<1x64x128xf32, #tpu.memory_space<hbm>> -> memref<64x128xf32, #tpu.memory_space<hbm>>
        tpu.enqueue_dma source(%arg8 : memref<64x128xf32, #tpu.memory_space<vmem_shared>>) target(%dma_start3A_734 : memref<64x128xf32, #tpu.memory_space<hbm>>) target_semaphore(%run_scoped3A : memref<!tpu.dma_semaphore, #tpu.memory_space<semaphore_mem>>)
        %dma_wait3A_735 = arith.constant 0 : i32
        %dma_wait3A_736 = arith.constant 0 : i32
        %dma_wait3A_737 = tpu.memref_slice %arg4[%arg0, %dma_wait3A_735, %dma_wait3A_736] : memref<2x64x128xf32, #tpu.memory_space<hbm>> -> memref<1x64x128xf32, #tpu.memory_space<hbm>>
        %dma_wait3A_738 = tpu.memref_squeeze %dma_wait3A_737 : memref<1x64x128xf32, #tpu.memory_space<hbm>> -> memref<64x128xf32, #tpu.memory_space<hbm>>
        tpu.wait_dma2 semaphore(%run_scoped3A : memref<!tpu.dma_semaphore, #tpu.memory_space<semaphore_mem>>) src(%arg8 : memref<64x128xf32, #tpu.memory_space<vmem_shared>>) dst(%dma_wait3A_738 : memref<64x128xf32, #tpu.memory_space<hbm>>)
        tpu.yield
      }) : () -> ()
    } else {
    }
    return
  }
}

module attributes {stable_mosaic.version = 14 : i64} {
  func.func @_tc_dist_body(%arg0: i32, %arg1: memref<2x64x128xf32, #tpu.memory_space<vmem>>, %arg2: memref<1x64xf32, #tpu.memory_space<vmem>>, %arg3: memref<1024x128xf32, #tpu.memory_space<vmem>>, %arg4: memref<64x1024xf32, #tpu.memory_space<vmem>>) attributes {dimension_semantics = [#tpu.dimension_semantics<arbitrary>], iteration_bounds = array<i64: 8>, scalar_prefetch = 0 : i64, scratch_operands = 0 : i64, tpu.core_type = #tpu.core_type<tc>, window_params = [{pipeline_mode = #tpu.pipeline_mode<synchronous>, transform_indices = @transform_0, window_bounds = array<i64: 2, 64, 128>}, {pipeline_mode = #tpu.pipeline_mode<synchronous>, transform_indices = @transform_1, window_bounds = array<i64: 1, 64>}, {transform_indices = @transform_2, window_bounds = array<i64: 1024, 128>}, {transform_indices = @transform_3, window_bounds = array<i64: 64, 1024>}]} {
    %get3A = arith.constant 0 : index
    %get3A_0 = arith.constant 0 : index
    %get3A_1 = arith.constant 0 : index
    %get3A_2 = vector.load %arg1[%get3A, %get3A_0, %get3A_1] : memref<2x64x128xf32, #tpu.memory_space<vmem>>, vector<1x64x128xf32>
    %get3A_3 = vector.shape_cast %get3A_2 : vector<1x64x128xf32> to vector<64x128xf32>
    %get3A_4 = arith.constant 1 : index
    %get3A_5 = arith.constant 0 : index
    %get3A_6 = arith.constant 0 : index
    %get3A_7 = vector.load %arg1[%get3A_4, %get3A_5, %get3A_6] : memref<2x64x128xf32, #tpu.memory_space<vmem>>, vector<1x64x128xf32>
    %get3A_8 = vector.shape_cast %get3A_7 : vector<1x64x128xf32> to vector<64x128xf32>
    %add3A = arith.addf %get3A_3, %get3A_8 : vector<64x128xf32>
    %get3A_9 = arith.constant 0 : index
    %get3A_10 = arith.constant 0 : index
    %get3A_11 = vector.load %arg2[%get3A_9, %get3A_10] : memref<1x64xf32, #tpu.memory_space<vmem>>, vector<1x64xf32>
    %get3A_12 = vector.shape_cast %get3A_11 : vector<1x64xf32> to vector<64xf32>
    %broadcast_in_dim3A = vector.shape_cast %get3A_12 : vector<64xf32> to vector<64x1xf32>
    %div3A = vector.broadcast %broadcast_in_dim3A : vector<64x1xf32> to vector<64x128xf32>
    %div3A_13 = arith.divf %add3A, %div3A : vector<64x128xf32>
    %get3A_14 = arith.constant 0 : index
    %get3A_15 = arith.constant 0 : index
    %get3A_16 = vector.load %arg3[%get3A_14, %get3A_15] : memref<1024x128xf32, #tpu.memory_space<vmem>>, vector<1024x128xf32>
    %dot_general3A = arith.constant dense<0.000000e+00> : vector<64x1024xf32>
    %dot_general3A_17 = tpu.matmul %div3A_13, %get3A_16, %dot_general3A {dimension_numbers = #tpu.dot_dimension_numbers<[1], [1], [0], [0], [0, 0, 1, 0], [], []>, transpose_lhs_hint = false} : vector<64x128xf32>, vector<1024x128xf32>, vector<64x1024xf32> -> vector<64x1024xf32>
    %mul3A = arith.mulf %get3A_16, %get3A_16 : vector<1024x128xf32>
    %reduce_sum3A = arith.constant dense<0.000000e+00> : vector<1024xf32>
    %reduce_sum3A_18 = vector.multi_reduction <add>, %mul3A, %reduce_sum3A [1] : vector<1024x128xf32> to vector<1024xf32>
    %mul3A_19 = arith.mulf %div3A_13, %div3A_13 : vector<64x128xf32>
    %reduce_sum3A_20 = arith.constant dense<0.000000e+00> : vector<64xf32>
    %reduce_sum3A_21 = vector.multi_reduction <add>, %mul3A_19, %reduce_sum3A_20 [1] : vector<64x128xf32> to vector<64xf32>
    %mul3A_22 = arith.constant 2.000000e+00 : f32
    %mul3A_23 = vector.broadcast %mul3A_22 : f32 to vector<64x1024xf32>
    %mul3A_24 = arith.mulf %mul3A_23, %dot_general3A_17 : vector<64x1024xf32>
    %broadcast_in_dim3A_25 = vector.shape_cast %reduce_sum3A_18 : vector<1024xf32> to vector<1x1024xf32>
    %sub3A = vector.broadcast %broadcast_in_dim3A_25 : vector<1x1024xf32> to vector<64x1024xf32>
    %sub3A_26 = arith.subf %mul3A_24, %sub3A : vector<64x1024xf32>
    %broadcast_in_dim3A_27 = vector.shape_cast %reduce_sum3A_21 : vector<64xf32> to vector<64x1xf32>
    %sub3A_28 = vector.broadcast %broadcast_in_dim3A_27 : vector<64x1xf32> to vector<64x1024xf32>
    %sub3A_29 = arith.subf %sub3A_26, %sub3A_28 : vector<64x1024xf32>
    %swap3A = arith.constant 0 : index
    %swap3A_30 = arith.constant 0 : index
    %swap3A_31 = vector.load %arg4[%swap3A, %swap3A_30] : memref<64x1024xf32, #tpu.memory_space<vmem>>, vector<64x1024xf32>
    tpu.vector_store %arg4[%swap3A, %swap3A_30], %sub3A_29 {strides = array<i32>} : memref<64x1024xf32, #tpu.memory_space<vmem>>, vector<64x1024xf32>,
    return
  }
  func.func @transform_0(%arg0: i32) -> (i32, i32, i32) {
    %c0_i32 = arith.constant 0 : i32
    %c0_i32_0 = arith.constant 0 : i32
    %c0_i32_1 = arith.constant 0 : i32
    %c0_i32_2 = arith.constant 0 : i32
    return %c0_i32, %c0_i32_0, %c0_i32_1 : i32, i32, i32
  }
  func.func @transform_1(%arg0: i32) -> (i32, i32) {
    %c0_i32 = arith.constant 0 : i32
    %c0_i32_0 = arith.constant 0 : i32
    %c0_i32_1 = arith.constant 0 : i32
    return %c0_i32, %c0_i32_0 : i32, i32
  }
  func.func @transform_2(%arg0: i32) -> (i32, i32) {
    %c0_i32 = arith.constant 0 : i32
    %c0_i32_0 = arith.constant 0 : i32
    return %arg0, %c0_i32 : i32, i32
  }
  func.func @transform_3(%arg0: i32) -> (i32, i32) {
    %c0_i32 = arith.constant 0 : i32
    %c0_i32_0 = arith.constant 0 : i32
    return %c0_i32, %arg0 : i32, i32
  }
}

module attributes {stable_mosaic.version = 14 : i64} {
  func.func @_tc_cnt_body(%arg0: i32, %arg1: memref<4x1x1024xi32, #tpu.memory_space<vmem>>, %arg2: memref<1x64xf32, #tpu.memory_space<vmem>>, %arg3: memref<1x64xf32, #tpu.memory_space<vmem>>) attributes {dimension_semantics = [#tpu.dimension_semantics<arbitrary>], iteration_bounds = array<i64: 8>, scalar_prefetch = 0 : i64, scratch_operands = 1 : i64, tpu.core_type = #tpu.core_type<tc>, window_params = [{transform_indices = @transform_0, window_bounds = array<i64: 4, 1, 1024>}, {pipeline_mode = #tpu.pipeline_mode<synchronous>, transform_indices = @transform_1, window_bounds = array<i64: 1, 64>}]} {
    %broadcast_in_dim3A = arith.constant 0.000000e+00 : f32
    %broadcast_in_dim3A_0 = vector.broadcast %broadcast_in_dim3A : f32 to vector<1x64xf32>
    %get3A = arith.constant 0 : index
    %get3A_1 = arith.constant 0 : index
    %get3A_2 = arith.constant 0 : index
    %get3A_3 = vector.load %arg1[%get3A, %get3A_1, %get3A_2] : memref<4x1x1024xi32, #tpu.memory_space<vmem>>, vector<1x1x1024xi32>
    %get3A_4 = vector.shape_cast %get3A_3 : vector<1x1x1024xi32> to vector<1024xi32>
    %broadcast_in_dim3A_5 = vector.shape_cast %get3A_4 : vector<1024xi32> to vector<1024x1xi32>
    %iota3A = tpu.iota {dimensions = array<i32: 1>} : vector<1024x64xi32>
    %eq3A = vector.broadcast %broadcast_in_dim3A_5 : vector<1024x1xi32> to vector<1024x64xi32>
    %eq3A_6 = arith.cmpi eq, %eq3A, %iota3A : vector<1024x64xi32>
    %jit3A = arith.constant 1.000000e+00 : f32
    %jit3A_7 = arith.constant 0.000000e+00 : f32
    %broadcast_in_dim3A_8 = vector.broadcast %jit3A : f32 to vector<1024x64xf32>
    %broadcast_in_dim3A_9 = vector.broadcast %jit3A_7 : f32 to vector<1024x64xf32>
    %select_n3A = arith.select %eq3A_6, %broadcast_in_dim3A_8, %broadcast_in_dim3A_9 : vector<1024x64xi1>, vector<1024x64xf32>
    %reduce_sum3A = arith.constant dense<0.000000e+00> : vector<64xf32>
    %reduce_sum3A_10 = vector.multi_reduction <add>, %select_n3A, %reduce_sum3A [0] : vector<1024x64xf32> to vector<64xf32>
    %broadcast_in_dim3A_11 = vector.shape_cast %reduce_sum3A_10 : vector<64xf32> to vector<1x64xf32>
    %add3A = arith.addf %broadcast_in_dim3A_0, %broadcast_in_dim3A_11 : vector<1x64xf32>
    %get3A_12 = arith.constant 1 : index
    %get3A_13 = arith.constant 0 : index
    %get3A_14 = arith.constant 0 : index
    %get3A_15 = vector.load %arg1[%get3A_12, %get3A_13, %get3A_14] : memref<4x1x1024xi32, #tpu.memory_space<vmem>>, vector<1x1x1024xi32>
    %get3A_16 = vector.shape_cast %get3A_15 : vector<1x1x1024xi32> to vector<1024xi32>
    %broadcast_in_dim3A_17 = vector.shape_cast %get3A_16 : vector<1024xi32> to vector<1024x1xi32>
    %iota3A_18 = tpu.iota {dimensions = array<i32: 1>} : vector<1024x64xi32>
    %eq3A_19 = vector.broadcast %broadcast_in_dim3A_17 : vector<1024x1xi32> to vector<1024x64xi32>
    %eq3A_20 = arith.cmpi eq, %eq3A_19, %iota3A_18 : vector<1024x64xi32>
    %jit3A_21 = arith.constant 1.000000e+00 : f32
    %jit3A_22 = arith.constant 0.000000e+00 : f32
    %broadcast_in_dim3A_23 = vector.broadcast %jit3A_21 : f32 to vector<1024x64xf32>
    %broadcast_in_dim3A_24 = vector.broadcast %jit3A_22 : f32 to vector<1024x64xf32>
    %select_n3A_25 = arith.select %eq3A_20, %broadcast_in_dim3A_23, %broadcast_in_dim3A_24 : vector<1024x64xi1>, vector<1024x64xf32>
    %reduce_sum3A_26 = arith.constant dense<0.000000e+00> : vector<64xf32>
    %reduce_sum3A_27 = vector.multi_reduction <add>, %select_n3A_25, %reduce_sum3A_26 [0] : vector<1024x64xf32> to vector<64xf32>
    %broadcast_in_dim3A_28 = vector.shape_cast %reduce_sum3A_27 : vector<64xf32> to vector<1x64xf32>
    %add3A_29 = arith.addf %add3A, %broadcast_in_dim3A_28 : vector<1x64xf32>
    %get3A_30 = arith.constant 2 : index
    %get3A_31 = arith.constant 0 : index
    %get3A_32 = arith.constant 0 : index
    %get3A_33 = vector.load %arg1[%get3A_30, %get3A_31, %get3A_32] : memref<4x1x1024xi32, #tpu.memory_space<vmem>>, vector<1x1x1024xi32>
    %get3A_34 = vector.shape_cast %get3A_33 : vector<1x1x1024xi32> to vector<1024xi32>
    %broadcast_in_dim3A_35 = vector.shape_cast %get3A_34 : vector<1024xi32> to vector<1024x1xi32>
    %iota3A_36 = tpu.iota {dimensions = array<i32: 1>} : vector<1024x64xi32>
    %eq3A_37 = vector.broadcast %broadcast_in_dim3A_35 : vector<1024x1xi32> to vector<1024x64xi32>
    %eq3A_38 = arith.cmpi eq, %eq3A_37, %iota3A_36 : vector<1024x64xi32>
    %jit3A_39 = arith.constant 1.000000e+00 : f32
    %jit3A_40 = arith.constant 0.000000e+00 : f32
    %broadcast_in_dim3A_41 = vector.broadcast %jit3A_39 : f32 to vector<1024x64xf32>
    %broadcast_in_dim3A_42 = vector.broadcast %jit3A_40 : f32 to vector<1024x64xf32>
    %select_n3A_43 = arith.select %eq3A_38, %broadcast_in_dim3A_41, %broadcast_in_dim3A_42 : vector<1024x64xi1>, vector<1024x64xf32>
    %reduce_sum3A_44 = arith.constant dense<0.000000e+00> : vector<64xf32>
    %reduce_sum3A_45 = vector.multi_reduction <add>, %select_n3A_43, %reduce_sum3A_44 [0] : vector<1024x64xf32> to vector<64xf32>
    %broadcast_in_dim3A_46 = vector.shape_cast %reduce_sum3A_45 : vector<64xf32> to vector<1x64xf32>
    %add3A_47 = arith.addf %add3A_29, %broadcast_in_dim3A_46 : vector<1x64xf32>
    %get3A_48 = arith.constant 3 : index
    %get3A_49 = arith.constant 0 : index
    %get3A_50 = arith.constant 0 : index
    %get3A_51 = vector.load %arg1[%get3A_48, %get3A_49, %get3A_50] : memref<4x1x1024xi32, #tpu.memory_space<vmem>>, vector<1x1x1024xi32>
    %get3A_52 = vector.shape_cast %get3A_51 : vector<1x1x1024xi32> to vector<1024xi32>
    %broadcast_in_dim3A_53 = vector.shape_cast %get3A_52 : vector<1024xi32> to vector<1024x1xi32>
    %iota3A_54 = tpu.iota {dimensions = array<i32: 1>} : vector<1024x64xi32>
    %eq3A_55 = vector.broadcast %broadcast_in_dim3A_53 : vector<1024x1xi32> to vector<1024x64xi32>
    %eq3A_56 = arith.cmpi eq, %eq3A_55, %iota3A_54 : vector<1024x64xi32>
    %jit3A_57 = arith.constant 1.000000e+00 : f32
    %jit3A_58 = arith.constant 0.000000e+00 : f32
    %broadcast_in_dim3A_59 = vector.broadcast %jit3A_57 : f32 to vector<1024x64xf32>
    %broadcast_in_dim3A_60 = vector.broadcast %jit3A_58 : f32 to vector<1024x64xf32>
    %select_n3A_61 = arith.select %eq3A_56, %broadcast_in_dim3A_59, %broadcast_in_dim3A_60 : vector<1024x64xi1>, vector<1024x64xf32>
    %reduce_sum3A_62 = arith.constant dense<0.000000e+00> : vector<64xf32>
    %reduce_sum3A_63 = vector.multi_reduction <add>, %select_n3A_61, %reduce_sum3A_62 [0] : vector<1024x64xf32> to vector<64xf32>
    %broadcast_in_dim3A_64 = vector.shape_cast %reduce_sum3A_63 : vector<64xf32> to vector<1x64xf32>
    %add3A_65 = arith.addf %add3A_47, %broadcast_in_dim3A_64 : vector<1x64xf32>
    %eq3A_66 = arith.constant 0 : i32
    %eq3A_67 = arith.cmpi eq, %arg0, %eq3A_66 : i32
    %convert_element_type3A = arith.extui %eq3A_67 : i1 to i32
    %cond3A = arith.constant 0 : i32
    %cond3A_68 = arith.cmpi ne, %convert_element_type3A, %cond3A : i32
    scf.if %cond3A_68 {
      %swap3A = arith.constant 0 : index
      %swap3A_78 = arith.constant 0 : index
      %swap3A_79 = vector.load %arg3[%swap3A, %swap3A_78] : memref<1x64xf32, #tpu.memory_space<vmem>>, vector<1x64xf32>
      tpu.vector_store %arg3[%swap3A, %swap3A_78], %add3A_65 {strides = array<i32>} : memref<1x64xf32, #tpu.memory_space<vmem>>, vector<1x64xf32>,
    } else {
    }
    %gt3A = arith.constant 0 : i32
    %gt3A_69 = arith.cmpi sgt, %arg0, %gt3A : i32
    %convert_element_type3A_70 = arith.extui %gt3A_69 : i1 to i32
    %cond3A_71 = arith.constant 0 : i32
    %cond3A_72 = arith.cmpi ne, %convert_element_type3A_70, %cond3A_71 : i32
    scf.if %cond3A_72 {
      %get3A_78 = arith.constant 0 : index
      %get3A_79 = arith.constant 0 : index
      %get3A_80 = vector.load %arg3[%get3A_78, %get3A_79] : memref<1x64xf32, #tpu.memory_space<vmem>>, vector<1x64xf32>
      %add3A_81 = arith.addf %get3A_80, %add3A_65 : vector<1x64xf32>
      %swap3A = arith.constant 0 : index
      %swap3A_82 = arith.constant 0 : index
      %swap3A_83 = vector.load %arg3[%swap3A, %swap3A_82] : memref<1x64xf32, #tpu.memory_space<vmem>>, vector<1x64xf32>
      tpu.vector_store %arg3[%swap3A, %swap3A_82], %add3A_81 {strides = array<i32>} : memref<1x64xf32, #tpu.memory_space<vmem>>, vector<1x64xf32>,
    } else {
    }
    %eq3A_73 = arith.constant 7 : i32
    %eq3A_74 = arith.cmpi eq, %arg0, %eq3A_73 : i32
    %convert_element_type3A_75 = arith.extui %eq3A_74 : i1 to i32
    %cond3A_76 = arith.constant 0 : i32
    %cond3A_77 = arith.cmpi ne, %convert_element_type3A_75, %cond3A_76 : i32
    scf.if %cond3A_77 {
      %get3A_78 = arith.constant 0 : index
      %get3A_79 = arith.constant 0 : index
      %get3A_80 = vector.load %arg3[%get3A_78, %get3A_79] : memref<1x64xf32, #tpu.memory_space<vmem>>, vector<1x64xf32>
      %swap3A = arith.constant 0 : index
      %swap3A_81 = arith.constant 0 : index
      %swap3A_82 = vector.load %arg2[%swap3A, %swap3A_81] : memref<1x64xf32, #tpu.memory_space<vmem>>, vector<1x64xf32>
      tpu.vector_store %arg2[%swap3A, %swap3A_81], %get3A_80 {strides = array<i32>} : memref<1x64xf32, #tpu.memory_space<vmem>>, vector<1x64xf32>,
    } else {
    }
    return
  }
  func.func @transform_0(%arg0: i32) -> (i32, i32, i32) {
    %c0_i32 = arith.constant 0 : i32
    %c0_i32_0 = arith.constant 0 : i32
    %c0_i32_1 = arith.constant 0 : i32
    return %arg0, %c0_i32, %c0_i32_0 : i32, i32, i32
  }
  func.func @transform_1(%arg0: i32) -> (i32, i32) {
    %c0_i32 = arith.constant 0 : i32
    %c0_i32_0 = arith.constant 0 : i32
    %c0_i32_1 = arith.constant 0 : i32
    return %c0_i32, %c0_i32_0 : i32, i32
  }
}

</mosaic_0001>

<sc_bundles>
// kernel: kernel.5.cloned.1.call-start
scs
__scs_entry_jumppad:
0x0: {  	(pc) =	sbr.rel $0x88, $3  }
0x1: {  	(tag) =	ssettag $0x0;
	lr =	simm.s32 $0x1  }
0x2: {  	[smem:$0x3F9E] =	sst lr;
	_ =	strace $0xD0000000  }
0x3: {  	_ = 	snop  }
0x4: {  	_ = 	snop  }
0x5: {  	_ = 	snop  }
0x6: {  	_ = 	snop  }
0x7: {  	_ = 	snop  }
__scs_overlays_trampoline_lowered:
0x8: {  	[smem:$0x3FAD] =	sst s0  }
0x9: {  	[smem:$0x3FAE] =	sst s1  }
0xa: {  	[smem:$0x3FAF] =	sst s2  }
0xb: {  	[smem:$0x3FB0] =	sst s3  }
0xc: {  	[smem:$0x3FB1] =	sst s4  }
0xd: {  	[smem:$0x3FB2] =	sst s5  }
0xe: {  	[smem:$0x3FB3] =	sst s6  }
0xf: {  	[smem:$0x3FB4] =	sst s7  }
0x10: {  	[smem:$0x3FB5] =	sst s8  }
0x11: {  	[smem:$0x3FB6] =	sst s9;
	s0 =	simm.s32 @!p0 $0x0  }
0x12: {  	s1 =	sld [smem:$0x3F9C];
	s0 =	simm.s32 @p0 $0x1  }
0x13: {  	[smem:$0x3FB7] =	sst s0;
	s0 =	simm.s32 @!p1 $0x0  }
0x14: {  	s2 =	sld [smem:$0x3F9B];
	s0 =	simm.s32 @p1 $0x1  }
0x15: {  	[smem:$0x3FB8] =	sst s0;
	s0 =	simm.s32 @!p2 $0x0  }
0x16: {  	s3 =	sld [smem:$0x3FDB];
	s0 =	simm.s32 @p2 $0x1  }
0x17: {  	s4 =	simm.s32 $0x1BF5;
	[smem:$0x3FBA] =	sst s0  }
0x18: {  	s0 =	sld [smem:$0x3F9D];
	_ =	swait.ge [sflag:s4], $0x0  }
0x19: {  	s7 =	sld [smem:$0x3F9E]  }
0x1a: {  	s8 =	sadd.s32 $0xFFFFE003, lr  }
0x1b: {  	s9 =	sadd.s32 $0xFFFFFEF7, lr;
	s5 =	simm.s32 $0xFFFFFFFF;
	p2 =	slt.u32 s8, $0xFFFFF086  }
0x1c: {  	p1 =	slt.u32 s9, $0xF7A;
	s5 =	simm.s32 @!p2 $0x0  }
0x1d: {  	s5 =	simm.s32 @p1 $0x1;
	p0 =	seq.s32 s7, s2  }
0x1e: {  	s7 =	smul.u32 @!p0 $0xF7A, s2;
	p2 =	seq.s32 @!p0 s5, $0x0  }
0x1f: {  	s9 =	smul.u32 $0xF7A, s1;
	s8 =	simm.s32 @!p0 $0x1BF5;
	p2 =	por !p2, p0  }
0x20: {  	[sflag:s8] =	ssyncset.s32 @!p0 $0xFFFFF086;
	s6 =	sadd.s32 @!p0 s3, s7;
	s7 =	simm.s32 @!p0 $0x108  }
0x21: {  	s3 =	sadd.s32 s3, s9;
	s6 =	sadd.s32 @!p0 $0x88, s6;
	s7 =	simm.s32 @p2 $0x1082  }
0x22: {  	[simem:s7], [sflag:s8] =	dma.local @!p0 [hbm:s6], $0xF7A  }
0x23: {  	s9 =	sor.u32 $0xD0000000, s2;
	s6 =	simm.s32 $0x108;
	_ =	swait.ge @!p0 [sflag:s8], $0x0  }
0x24: {  	s3 =	sadd.s32 $0x88, s3;
	s6 =	simm.s32 @!p1 $0x1082;
	[sflag:s4] =	ssyncset.s32 $0xFFFFF086  }
0x25: {  	[simem:s6], [sflag:s4] =	dma.local [hbm:s3], $0xF7A  }
0x26: {  	[smem:$0x3F9E] =	sst s1;
	(tag) =	ssettag s2;
	_ =	strace s9  }
0x27: {  	s1 =	sld [smem:$0x3FAE]  }
0x28: {  	s2 =	sld [smem:$0x3FAF]  }
0x29: {  	s4 =	sld [smem:$0x3FB1]  }
0x2a: {  	p0 =	seq.s32 s5, $0x0;
	s5 =	sld [smem:$0x3FB2]  }
0x2b: {  	s6 =	sld [smem:$0x3FB3]  }
0x2c: {  	s7 =	sld [smem:$0x3FB4]  }
0x2d: {  	s3 =	simm.s32 $0x108;
	s8 =	sld [smem:$0x3FB5]  }
0x2e: {  	s3 =	simm.s32 @!p0 $0x1082;
	s9 =	sld [smem:$0x3FB6]  }
0x2f: {  	lr =	sadd.s32 s0, s3;
	s0 =	sld [smem:$0x3FAD]  }
0x30: {  	s3 =	sld [smem:$0x3FB0]  }
0x31: {  	[smem:$0x3FB9] =	sst s10  }
0x32: {  	s10 =	sld [smem:$0x3FB7];
	_ =	sdelay $0x3  }
0x33: {  	p0 =	seq.s32 s10, $0x1;
	s10 =	sld [smem:$0x3FB9];
	_ =	sdelay $0x3  }
0x34: {  	[smem:$0x3FB9] =	sst s10  }
0x35: {  	s10 =	sld [smem:$0x3FB8];
	_ =	sdelay $0x3  }
0x36: {  	p1 =	seq.s32 s10, $0x1;
	s10 =	sld [smem:$0x3FB9];
	_ =	sdelay $0x3  }
0x37: {  	[smem:$0x3FB9] =	sst s10  }
0x38: {  	s10 =	sld [smem:$0x3FBA]  }
0x39: {  	_ = 	snop;
	(pc) =	sbr.ind lr, $3  }
0x3a: {  	_ = 	snop  }
0x3b: {  	_ = 	snop  }
0x3c: {  	p2 =	seq.s32 s10, $0x1;
	s10 =	sld [smem:$0x3FB9]  }
0x3d: {  	_ =	shalt  }
0x3e: {  	_ =	shalt  }
0x3f: {  	_ =	shalt  }
0x40: {  	_ =	shalt  }
0x41: {  	_ =	shalt  }
0x42: {  	_ =	shalt  }
0x43: {  	_ =	shalt  }
0x44: {  	_ =	shalt  }
0x45: {  	_ =	shalt  }
0x46: {  	_ =	shalt  }
0x47: {  	_ =	shalt  }
0x48: {  	_ =	shalt  }
0x49: {  	_ =	shalt  }
0x4a: {  	_ =	shalt  }
0x4b: {  	_ =	shalt  }
0x4c: {  	_ =	shalt  }
0x4d: {  	_ =	shalt  }
0x4e: {  	_ =	shalt  }
0x4f: {  	_ =	shalt  }
0x50: {  	_ =	shalt  }
0x51: {  	_ =	shalt  }
0x52: {  	_ =	shalt  }
0x53: {  	_ =	shalt  }
0x54: {  	_ =	shalt  }
0x55: {  	_ =	shalt  }
0x56: {  	_ =	shalt  }
0x57: {  	_ =	shalt  }
0x58: {  	_ =	shalt  }
0x59: {  	_ =	shalt  }
0x5a: {  	_ =	shalt  }
0x5b: {  	_ =	shalt  }
0x5c: {  	_ =	shalt  }
0x5d: {  	_ =	shalt  }
0x5e: {  	_ =	shalt  }
0x5f: {  	_ =	shalt  }
0x60: {  	_ =	shalt  }
0x61: {  	_ =	shalt  }
0x62: {  	_ =	shalt  }
0x63: {  	_ =	shalt  }
0x64: {  	_ =	shalt  }
0x65: {  	_ =	shalt  }
0x66: {  	_ =	shalt  }
0x67: {  	_ =	shalt  }
0x68: {  	_ =	shalt  }
0x69: {  	_ =	shalt  }
0x6a: {  	_ =	shalt  }
0x6b: {  	_ =	shalt  }
0x6c: {  	_ =	shalt  }
0x6d: {  	_ =	shalt  }
0x6e: {  	_ =	shalt  }
0x6f: {  	_ =	shalt  }
0x70: {  	_ =	shalt  }
0x71: {  	_ =	shalt  }
0x72: {  	_ =	shalt  }
0x73: {  	_ =	shalt  }
0x74: {  	_ =	shalt  }
0x75: {  	_ =	shalt  }
0x76: {  	_ =	shalt  }
0x77: {  	_ =	shalt  }
0x78: {  	_ =	shalt  }
0x79: {  	_ =	shalt  }
0x7a: {  	_ =	shalt  }
0x7b: {  	_ =	shalt  }
0x7c: {  	_ =	shalt  }
0x7d: {  	_ =	shalt  }
0x7e: {  	_ =	shalt  }
0x7f: {  	_ =	shalt  }
0x80: {  	_ =	shalt  }
0x81: {  	_ =	shalt  }
0x82: {  	_ =	shalt  }
0x83: {  	_ =	shalt  }
0x84: {  	_ =	shalt  }
0x85: {  	_ =	shalt  }
0x86: {  	_ =	shalt  }
0x87: {  	_ =	shalt  }
.Lfunc_end0:
.L_simem_size_0:
called_computation_lowered:
.L_overlay_start_0:
0x88: {  	s2 =	sld [smem:$0x3FD9]  }
0x89: {  	s3 =	sld [smem:$0x3FFE];
	_ =	sdelay $0x1  }
0x8a: {  	s1 =	srdreg.scid  }
0x8b: {  	s0 =	sand.u32 $0x1, s1  }
0x8c: {  	s18 =	sshll.u32 s0, $0xA;
	s2 =	sadd.s32 s3, s2  }
0x8d: {  	s2 =	sadd.s32 s2, s18  }
0x8e: {  	[smem:$0x3FC5] =	sst s2  }
0x8f: {  	_ = 	snop  }
0x90: {  	s2 =	sld [smem:$0x3FC9]  }
0x91: {  	s19 =	sld [smem:$0x3FC8]  }
0x92: {  	s4 =	sld [smem:$0x3FD0];
	(tm) =	ssettm $0x1  }
0x93: {  	s5 =	sld [smem:$0x3FFB];
	_ =	sdelay $0x3  }
0x94: {  	_ =	strace s5  }
0x95: {  	s5 =	sld [smem:$0x3FFC];
	_ =	sdelay $0x3  }
0x96: {  	_ =	strace s5  }
0x97: {  	s5 =	sld [smem:$0x3FFD];
	_ =	sdelay $0x3  }
0x98: {  	_ =	strace s5  }
0x99: {  	_ =	strace $0x8FFFFFFF  }
0x9a: {  	s20 =	sld [smem:$0x3FDB];
	_ =	sdelay $0x1  }
0x9b: {  	s6 =	simm.s32 $_scs_section_size  }
0x9c: {  	s7 =	simm.s32 $_size__tile_overlayer_lowered;
	s8 =	simm.s32 $_tile_overlayer_lowered  }
0x9d: {  	s23 =	simm.s32 $0x1BFF;
	s22 =	sshll.u32 s8, $0x1;
	s5 =	sadd.s32 s6, s20  }
0x9e: {  	s9 =	simm.s32 $0x0;
	s21 =	sshll.u32 s7, $0x1;
	s7 =	sadd.s32 s22, s5  }
0x9f: {  	[timem:s9], [sflag:s23] =	dma.local [hbm:s7], s21  }
0xa0: {  	_ =	swait.ge [sflag:s23], s21  }
0xa1: {  	s6 =	ssub.s32 $0x0, s21;
	[sflag:s23] =	ssyncset.done $0x0  }
0xa2: {  	[sflag:s23] =	ssyncadd.s32 s6;
	_ =	sdelay $0x1  }
0xa3: {  	s24 =	simm.s32 $0x1B8B  }
0xa4: {  	_ =	swait.ge [sflag:s24], $0x1  }
0xa5: {  	[sflag:s24] =	ssyncset.done $0x0  }
0xa6: {  	s25 =	simm.s32 $0x1B8E;
	[sflag:s24] =	ssyncadd.s32 $0xFFFFFFFF  }
0xa7: {  	s26 =	simm.s32 $execute0_lowered;
	[smem:$0x3FD2] =	sst s25  }
0xa8: {  	s6 =	sshll.u32 s26, $0x1;
	_ =	strace $0x80000046;
	[dreg:$0x1] =	wrdreg $0xFFFFFFFF  }
0xa9: {  	s28 =	simm.s32 $_size_execute0_lowered;
	s5 =	sadd.s32 s5, s6;
	[dreg:$0x0] =	wrdreg $0x0  }
0xaa: {  	s6 =	sshll.u32 s28, $0x1;
	[dreg:$0x2] =	wrdreg s5  }
0xab: {  	[dreg:$0x3] =	wrdreg s6  }
0xac: {  	[dreg:$0x4] =	wrdreg $0xC0  }
0xad: {  	_ =	task [dreg:s9], $0x5FFFF  }
0xae: {  	[dreg:$0x1] =	wrdreg $0xFFFFFFFF  }
0xaf: {  	[dreg:$0x0] =	wrdreg $0x60  }
0xb0: {  	[dreg:$0x2] =	wrdreg s2  }
0xb1: {  	[dreg:$0x3] =	wrdreg s19  }
0xb2: {  	[dreg:$0x4] =	wrdreg s4  }
0xb3: {  	[dreg:$0x5] =	wrdreg $0x186000  }
0xb4: {  	[dreg:$0x6] =	wrdreg $0x9  }
0xb5: {  	_ =	task.clear_ibuf [dreg:s9], $0x7FFFF;
	_ =	strace $0x90000046  }
0xb6: {  	s29 =	simm.s32 $0x9;
	_ =	strace $0x80000048  }
0xb7: {  	_ =	swait.ge [sflag:s29], $0x1  }
0xb8: {  	[sflag:s29] =	ssyncadd.s32 $0xFFFFFFFF  }
0xb9: {  	_ =	strace $0x90000048  }
0xba: {  	_ =	sfence  }
0xbb: {  	s30 =	sld [smem:$0x0];
	_ =	sdelay $0x2  }
0xbc: {  	s31 =	sshll.u32 s1, $0xD;
	s1 =	sshrl.u32 s1, $0x2  }
0xbd: {  	s3 =	sand.u32 $0x4000, s31;
	s1 =	sadd.s32 s1, s30  }
0xbe: {  	s0 =	sor.u32 s3, s0;
	s1 =	sshll.u32 s1, $0x11  }
0xbf: {  	s0 =	sor.u32 s1, s0  }
0xc0: {  	s0 =	sadd.s32 $0x8F2B, s0  }
0xc1: {  	[sflag:s0] =	ssyncadd.remote.s32 $0x1  }
0xc2: {  	_ =	sfence.sel $0xFFFF  }
0xc3: {  	[dreg:$0x0] =	wrdreg $0xFFFFFFFF;
	(pc) =	sbr.abs _section_cstart, $3  }
0xc4: {  	[dreg:$0x1] =	wrdreg $0xFFFFFFFF  }
0xc5: {  	_ =	task.clear_ibuf [dreg:s9], $0x2FFFF;
	_ =	strace $0x9FFFFFFF  }
0xc6: {  	(tm) =	ssettm $0x7FFFFFFF  }
0xc7: {  	_ =	shalt  }
tec
execute0_lowered:
.L_overlay_start_1:
0x0: {  	(tag) =	ssettag $0x1  }
0x1: {  	s15 =	rddreg [dreg:$0x0]  }
0x2: {  	s17 =	rddreg [dreg:$0x1]  }
0x3: {  	s14 =	rddreg [dreg:$0x2];
	s2 =	srdreg.scid  }
0x4: {  	s24 =	stileid.u32;
	s28 =	sand.u32 $0x1, s2;
	s2 =	simm.s32 $0x0  }
0x5: {  	s19 =	sshll.u32 s24, $0xB;
	s16 =	sshll.u32 s28, $0xA;
	[smem:$0x7FF] =	sst s2  }
0x6: {  	s1 =	rddreg [dreg:$0x3];
	s18 =	sor.u32 s16, s19;
	_ =	strace $0x80000047  }
0x7: {  	s3 =	sshrl.u32 s18, $0x3;
	s4 =	sshll.u32 s18, $0x4;
	s5 =	sor.u32 $0x80, s18  }
0x8: {  	s23 =	sor.u32 $0x100, s18;
	s26 =	sor.u32 $0x180, s18;
	s3 =	sadd.s32 s17, s3  }
0x9: {  	s12 =	sadd.s32 s15, s4;
	s13 =	sshrl.u32 s5, $0x3;
	[dreg:$0x5] =	wrdreg s3  }
0xa: {  	s21 =	sshll.u32 s5, $0x4;
	[dreg:$0x6] =	wrdreg s12;
	s20 =	sadd.s32 s17, s13  }
0xb: {  	s25 =	sshrl.u32 s23, $0x3;
	s22 =	sadd.s32 s15, s21;
	[dreg:$0x7] =	wrdreg s20  }
0xc: {  	s4 =	sshll.u32 s23, $0x4;
	s3 =	sadd.s32 s17, s25;
	[dreg:$0x8] =	wrdreg s22  }
0xd: {  	s0 =	sshrl.u32 s26, $0x3;
	s31 =	sadd.s32 s15, s4;
	[dreg:$0x9] =	wrdreg s3  }
0xe: {  	s6 =	sshll.u32 s26, $0x4;
	s4 =	sadd.s32 s17, s0;
	[dreg:$0xa] =	wrdreg s31  }
0xf: {  	s7 =	sadd.s32 s15, s6;
	[dreg:$0xb] =	wrdreg s4  }
0x10: {  	s8 =	sor.u32 $0x200, s18;
	[dreg:$0xc] =	wrdreg s7  }
0x11: {  	s10 =	sor.u32 $0x280, s18;
	s9 =	sshrl.u32 s8, $0x3;
	s21 =	rddreg [dreg:$0x5]  }
0x12: {  	s12 =	sshrl.u32 s10, $0x3;
	s3 =	sadd.s32 s17, s9;
	s22 =	rddreg [dreg:$0x6]  }
0x13: {  	s13 =	sadd.s32 s17, s12;
	[dreg:$0xd] =	wrdreg s3  }
0x14: {  	s5 =	simm.s32 $0x18000;
	[dreg:$0xf] =	wrdreg s13  }
0x15: {  	[tilespmem:s5], [sflag:$0x1] =	stream.linear.gather [hbm4b:s21+s2], $0x80, $0x38;
	[tilespmem:$0x18800] =	vst v63  }
0x16: {  	s20 =	sshll.u32 s10, $0x4;
	s23 =	rddreg [dreg:$0x7]  }
0x17: {  	s3 =	sadd.s32 s15, s20;
	s6 =	rddreg [dreg:$0x8]  }
0x18: {  	[tilespmem:s2], [sflag:$0x1] =	stream.linear.gather [hbm4b:s22+s2], $0x4000, $0x38;
	[tilespmem:$0x18800] =	vst v63  }
0x19: {  	s4 =	sshll.u32 s8, $0x4;
	[dreg:$0x10] =	wrdreg s3;
	s3 =	simm.s32 $0x18080  }
0x1a: {  	[tilespmem:s3], [sflag:$0x2] =	stream.linear.gather [hbm4b:s23+s2], $0x80, $0x38;
	[tilespmem:$0x18800] =	vst v63  }
0x1b: {  	s11 =	sadd.s32 s15, s4;
	s4 =	simm.s32 $0x4000;
	s7 =	rddreg [dreg:$0x9]  }
0x1c: {  	[tilespmem:s4], [sflag:$0x2] =	stream.linear.gather [hbm4b:s6+s2], $0x4000, $0x38;
	[tilespmem:$0x18800] =	vst v63  }
0x1d: {  	s0 =	simm.s32 $0x18100;
	s8 =	rddreg [dreg:$0xa]  }
0x1e: {  	[tilespmem:s0], [sflag:$0x3] =	stream.linear.gather [hbm4b:s7+s2], $0x80, $0x38;
	[tilespmem:$0x18800] =	vst v63  }
0x1f: {  	s9 =	rddreg [dreg:$0xb];
	s7 =	simm.s32 $0x8000  }
0x20: {  	[tilespmem:s7], [sflag:$0x3] =	stream.linear.gather [hbm4b:s8+s2], $0x4000, $0x38;
	[tilespmem:$0x18800] =	vst v63  }
0x21: {  	s10 =	rddreg [dreg:$0xc];
	s8 =	simm.s32 $0x18180  }
0x22: {  	[tilespmem:s8], [sflag:$0x4] =	stream.linear.gather [hbm4b:s9+s2], $0x80, $0x38;
	[tilespmem:$0x18800] =	vst v63  }
0x23: {  	[dreg:$0xe] =	wrdreg s11;
	s9 =	simm.s32 $0xC000  }
0x24: {  	[tilespmem:s9], [sflag:$0x4] =	stream.linear.gather [hbm4b:s10+s2], $0x4000, $0x38;
	[tilespmem:$0x18800] =	vst v63  }
0x25: {  	s11 =	rddreg [dreg:$0xd];
	s10 =	simm.s32 $0x18200  }
0x26: {  	[tilespmem:s10], [sflag:$0x5] =	stream.linear.gather [hbm4b:s11+s2], $0x80, $0x38;
	[tilespmem:$0x18800] =	vst v63  }
0x27: {  	s12 =	rddreg [dreg:$0xe];
	s11 =	simm.s32 $0x10000  }
0x28: {  	[tilespmem:s11], [sflag:$0x5] =	stream.linear.gather [hbm4b:s12+s2], $0x4000, $0x38;
	[tilespmem:$0x18800] =	vst v63  }
0x29: {  	s13 =	rddreg [dreg:$0xf];
	s12 =	simm.s32 $0x18280  }
0x2a: {  	[tilespmem:s12], [sflag:$0x6] =	stream.linear.gather [hbm4b:s13+s2], $0x80, $0x38;
	[tilespmem:$0x18800] =	vst v63  }
0x2b: {  	s20 =	rddreg [dreg:$0x10];
	s13 =	simm.s32 $0x14000  }
0x2c: {  	v0 =	vimm.f32 $0.0e+00;
	[tilespmem:s13], [sflag:$0x6] =	stream.linear.gather [hbm4b:s20+s2], $0x4000, $0x38;
	[tilespmem:$0x18800] =	vst v63  }
0x2d: {  	[tilespmem:$0x185F0] =	vst v0  }
0x2e: {  	[tilespmem:$0x185E0] =	vst v0  }
0x2f: {  	[tilespmem:$0x185D0] =	vst v0  }
0x30: {  	[tilespmem:$0x185C0] =	vst v0  }
0x31: {  	[tilespmem:$0x185B0] =	vst v0  }
0x32: {  	[tilespmem:$0x185A0] =	vst v0  }
0x33: {  	[tilespmem:$0x18590] =	vst v0  }
0x34: {  	[tilespmem:$0x18580] =	vst v0  }
0x35: {  	[tilespmem:$0x18570] =	vst v0  }
0x36: {  	[tilespmem:$0x18560] =	vst v0  }
0x37: {  	[tilespmem:$0x18550] =	vst v0  }
0x38: {  	[tilespmem:$0x18540] =	vst v0  }
0x39: {  	[tilespmem:$0x18530] =	vst v0  }
0x3a: {  	[tilespmem:$0x18520] =	vst v0  }
0x3b: {  	[tilespmem:$0x18510] =	vst v0  }
0x3c: {  	[tilespmem:$0x18500] =	vst v0  }
0x3d: {  	[tilespmem:$0x184F0] =	vst v0  }
0x3e: {  	[tilespmem:$0x184E0] =	vst v0  }
0x3f: {  	[tilespmem:$0x184D0] =	vst v0  }
0x40: {  	[tilespmem:$0x184C0] =	vst v0  }
0x41: {  	[tilespmem:$0x184B0] =	vst v0  }
0x42: {  	[tilespmem:$0x184A0] =	vst v0  }
0x43: {  	s19 =	sshrl.u32 s19, $0x2;
	s14 =	sadd.s32 s14, s16;
	s25 =	sor.u32 $0x300, s18;
	[tilespmem:$0x18490] =	vst v0  }
0x44: {  	s19 =	sadd.s32 s19, s1;
	[dreg:$0x16] =	wrdreg s14;
	s26 =	sshrl.u32 s25, $0x3;
	[tilespmem:$0x18480] =	vst v0  }
0x45: {  	[dreg:$0x11] =	wrdreg s19;
	s19 =	sadd.s32 s17, s26;
	[tilespmem:$0x18470] =	vst v0  }
0x46: {  	s18 =	sor.u32 $0x380, s18;
	s21 =	simm.s32 $0x18400;
	[dreg:$0x12] =	wrdreg s19;
	[tilespmem:$0x18460] =	vst v0  }
0x47: {  	[dreg:$0x17] =	wrdreg s21;
	s6 =	sshrl.u32 s18, $0x3;
	[tilespmem:$0x18450] =	vst v0  }
0x48: {  	s23 =	rddreg [dreg:$0x17];
	s17 =	sadd.s32 s17, s6;
	[tilespmem:$0x18440] =	vst v0  }
0x49: {  	[dreg:$0x14] =	wrdreg s17;
	s20 =	sshll.u32 s25, $0x4;
	[tilespmem:$0x18430] =	vst v0  }
0x4a: {  	s22 =	sshll.u32 s18, $0x4;
	s25 =	rddreg [dreg:$0x11];
	s31 =	sadd.s32 s15, s20;
	[tilespmem:$0x18420] =	vst v0  }
0x4b: {  	s15 =	sadd.s32 s15, s22;
	[tilespmem:$0x18400] =	vst v0;
	[dreg:$0x13] =	wrdreg s31  }
0x4c: {  	s17 =	simm.s32 $0xD;
	[tilespmem:$0x18410] =	vst v0;
	[dreg:$0x15] =	wrdreg s15  }
0x4d: {  	[spmem:s25] =	stream.linear.scatter [tilespmem:s23], [sflag:$0xD], $0x200, $0x38;
	[tilespmem:$0x18800] =	vst v63  }
0x4e: {  	_ =	swait.ge [sflag:s17], $0x200  }
0x4f: {  	[sflag:s17] =	ssyncset.done $0x0  }
0x50: {  	[sflag:s17] =	ssyncadd.s32 $0xFFFFFE00  }
0x51: {  	s16 =	simm.s32 $0x1;
	[bflag:$0x0] =	sbarrier.arrive $0xFFFF  }
0x52: {  	_ =	swait.ge [sflag:s16], $0x80  }
0x53: {  	[sflag:s16] =	ssyncset.done $0x0  }
0x54: {  	[sflag:s16] =	ssyncadd.s32 $0xFFFFFF80  }
0x55: {  	_ =	swait.ge [sflag:s16], $0x4000  }
0x56: {  	[sflag:s16] =	ssyncset.done $0x0  }
0x57: {  	s14 =	simm.s32 $0x80;
	s15 =	simm.s32 $0x2;
	[sflag:s16] =	ssyncadd.s32 $0xFFFFC000  }
0x58: {  	[spmem:s1] =	stream.indirect.scatter.add.f32 [tilespmem:s2], [sflag:$0x7], $0x80, s5, s14, $0xb8;
	[tilespmem:$0x18800] =	vst v63  }
0x59: {  	_ =	swait.ge [sflag:s15], $0x80  }
0x5a: {  	[sflag:s15] =	ssyncset.done $0x0  }
0x5b: {  	[sflag:s15] =	ssyncadd.s32 $0xFFFFFF80  }
0x5c: {  	_ =	swait.ge [sflag:s15], $0x4000  }
0x5d: {  	[sflag:s15] =	ssyncset.done $0x0  }
0x5e: {  	s18 =	simm.s32 $0x7;
	[sflag:s15] =	ssyncadd.s32 $0xFFFFC000  }
0x5f: {  	[spmem:s1] =	stream.indirect.scatter.add.f32 [tilespmem:s4], [sflag:$0x8], $0x80, s3, s14, $0xb8;
	[tilespmem:$0x18800] =	vst v63  }
0x60: {  	_ =	swait.ge [sflag:s18], $0x4000  }
0x61: {  	[sflag:s18] =	ssyncset.done $0x0  }
0x62: {  	s26 =	rddreg [dreg:$0x12];
	[sflag:s18] =	ssyncadd.s32 $0xFFFFC000  }
0x63: {  	[tilespmem:s5], [sflag:$0x1] =	stream.linear.gather [hbm4b:s26+s2], $0x80, $0x38;
	[tilespmem:$0x18800] =	vst v63  }
0x64: {  	s20 =	simm.s32 $0x3;
	s21 =	rddreg [dreg:$0x13]  }
0x65: {  	[tilespmem:s2], [sflag:$0x1] =	stream.linear.gather [hbm4b:s21+s2], $0x4000, $0x38;
	[tilespmem:$0x18800] =	vst v63  }
0x66: {  	_ =	swait.ge [sflag:s20], $0x80  }
0x67: {  	[sflag:s20] =	ssyncset.done $0x0  }
0x68: {  	[sflag:s20] =	ssyncadd.s32 $0xFFFFFF80  }
0x69: {  	_ =	swait.ge [sflag:s20], $0x4000  }
0x6a: {  	[sflag:s20] =	ssyncset.done $0x0  }
0x6b: {  	s19 =	simm.s32 $0x8;
	[sflag:s20] =	ssyncadd.s32 $0xFFFFC000  }
0x6c: {  	[spmem:s1] =	stream.indirect.scatter.add.f32 [tilespmem:s7], [sflag:$0x9], $0x80, s0, s14, $0xb8;
	[tilespmem:$0x18800] =	vst v63  }
0x6d: {  	_ =	swait.ge [sflag:s19], $0x4000  }
0x6e: {  	[sflag:s19] =	ssyncset.done $0x0  }
0x6f: {  	s31 =	rddreg [dreg:$0x14];
	[sflag:s19] =	ssyncadd.s32 $0xFFFFC000  }
0x70: {  	[tilespmem:s3], [sflag:$0x2] =	stream.linear.gather [hbm4b:s31+s2], $0x80, $0x38;
	[tilespmem:$0x18800] =	vst v63  }
0x71: {  	s21 =	simm.s32 $0x4;
	s22 =	rddreg [dreg:$0x15]  }
0x72: {  	[tilespmem:s4], [sflag:$0x2] =	stream.linear.gather [hbm4b:s22+s2], $0x4000, $0x38;
	[tilespmem:$0x18800] =	vst v63  }
0x73: {  	_ =	swait.ge [sflag:s21], $0x80  }
0x74: {  	[sflag:s21] =	ssyncset.done $0x0  }
0x75: {  	[sflag:s21] =	ssyncadd.s32 $0xFFFFFF80  }
0x76: {  	_ =	swait.ge [sflag:s21], $0x4000  }
0x77: {  	[sflag:s21] =	ssyncset.done $0x0  }
0x78: {  	s22 =	simm.s32 $0x9;
	[sflag:s21] =	ssyncadd.s32 $0xFFFFC000  }
0x79: {  	[spmem:s1] =	stream.indirect.scatter.add.f32 [tilespmem:s9], [sflag:$0xA], $0x80, s8, s14, $0xb8;
	[tilespmem:$0x18800] =	vst v63  }
0x7a: {  	_ =	swait.ge [sflag:s22], $0x4000  }
0x7b: {  	[sflag:s22] =	ssyncset.done $0x0  }
0x7c: {  	s23 =	simm.s32 $0x5;
	[sflag:s22] =	ssyncadd.s32 $0xFFFFC000  }
0x7d: {  	_ =	swait.ge [sflag:s23], $0x80  }
0x7e: {  	[sflag:s23] =	ssyncset.done $0x0  }
0x7f: {  	[sflag:s23] =	ssyncadd.s32 $0xFFFFFF80  }
0x80: {  	_ =	swait.ge [sflag:s23], $0x4000  }
0x81: {  	[sflag:s23] =	ssyncset.done $0x0  }
0x82: {  	s25 =	simm.s32 $0xA;
	[sflag:s23] =	ssyncadd.s32 $0xFFFFC000  }
0x83: {  	[spmem:s1] =	stream.indirect.scatter.add.f32 [tilespmem:s11], [sflag:$0xB], $0x80, s10, s14, $0xb8;
	[tilespmem:$0x18800] =	vst v63  }
0x84: {  	_ =	swait.ge [sflag:s25], $0x4000  }
0x85: {  	s28 =	ssub.s32 $0x2, s28;
	[sflag:s25] =	ssyncset.done $0x0  }
0x86: {  	s29 =	sshrl.u32 s28, $0x1;
	s26 =	simm.s32 $0x6;
	[sflag:s25] =	ssyncadd.s32 $0xFFFFC000  }
0x87: {  	s28 =	ssub.s32 s28, s29;
	_ =	swait.ge [sflag:s26], $0x80  }
0x88: {  	s28 =	smax.u32 s28, $0x1;
	[sflag:s26] =	ssyncset.done $0x0  }
0x89: {  	s30 =	sadd.s32 $0xFFFFFFFF, s28;
	[sflag:s26] =	ssyncadd.s32 $0xFFFFFF80  }
0x8a: {  	p1 =	sne.s32 s30, $0x0;
	_ =	swait.ge [sflag:s26], $0x4000  }
.Ltmp0:
0x8b: {  	[sflag:s26] =	ssyncset.done $0x0;
	(pc) =	sbr.rel @!p1 .LBB2_2-.Ltmp0, $4  }
0x8c: {  	s29 =	simm.s32 $0xB;
	[sflag:s26] =	ssyncadd.s32 $0xFFFFC000  }
0x8d: {  	[spmem:s1] =	stream.indirect.scatter.add.f32 [tilespmem:s13], [sflag:$0xC], $0x80, s12, s14, $0xb8;
	[tilespmem:$0x18800] =	vst v63  }
0x8e: {  	p0 =	sne.s32 s24, $0x0;
	_ =	swait.ge [sflag:s29], $0x4000  }
0x8f: {  	s24 =	sshrl.u32 @!p0 s1, $0x3;
	s28 =	simm.s32 $0xC;
	[sflag:s29] =	ssyncset.done $0x0  }
.LBB2_1:
0x90: {  	[sflag:s29] =	ssyncadd.s32 $0xFFFFC000  }
0x91: {  	_ =	swait.ge [sflag:s16], $0x80  }
0x92: {  	[sflag:s16] =	ssyncset.done $0x0  }
0x93: {  	[sflag:s16] =	ssyncadd.s32 $0xFFFFFF80  }
0x94: {  	_ =	swait.ge [sflag:s16], $0x4000  }
0x95: {  	[sflag:s16] =	ssyncset.done $0x0  }
0x96: {  	[sflag:s16] =	ssyncadd.s32 $0xFFFFC000  }
0x97: {  	[spmem:s1] =	stream.indirect.scatter.add.f32 [tilespmem:s2], [sflag:$0x7], $0x80, s5, s14, $0xb8;
	[tilespmem:$0x18800] =	vst v63  }
0x98: {  	_ =	swait.ge [sflag:s28], $0x4000  }
0x99: {  	[sflag:s28] =	ssyncset.done $0x0  }
0x9a: {  	[sflag:s28] =	ssyncadd.s32 $0xFFFFC000  }
0x9b: {  	_ =	swait.ge [sflag:s15], $0x80  }
0x9c: {  	[sflag:s15] =	ssyncset.done $0x0  }
0x9d: {  	[sflag:s15] =	ssyncadd.s32 $0xFFFFFF80  }
0x9e: {  	_ =	swait.ge [sflag:s15], $0x4000  }
0x9f: {  	[sflag:s15] =	ssyncset.done $0x0  }
0xa0: {  	[sflag:s15] =	ssyncadd.s32 $0xFFFFC000  }
0xa1: {  	[spmem:s1] =	stream.indirect.scatter.add.f32 [tilespmem:s4], [sflag:$0x8], $0x80, s3, s14, $0xb8;
	[tilespmem:$0x18800] =	vst v63  }
0xa2: {  	_ =	swait.ge [sflag:s18], $0x4000  }
0xa3: {  	[sflag:s18] =	ssyncset.done $0x0  }
0xa4: {  	[sflag:s18] =	ssyncadd.s32 $0xFFFFC000  }
0xa5: {  	_ =	swait.ge [sflag:s19], $0x4000  }
0xa6: {  	[sflag:s19] =	ssyncset.done $0x0  }
0xa7: {  	[sflag:s19] =	ssyncadd.s32 $0xFFFFC000  }
0xa8: {  	[bflag:$0x0] =	sbarrier.arrive $0xFFFF  }
0xa9: {  	s0 =	simm.s32 @!p0 $0x1C0D;
	s6 =	simm.s32 @!p0 $0xD;
	s31 =	rddreg [dreg:$0x16]  }
0xaa: {  	[hbm:s31], [sflag:s0] =	dma.local @!p0 [spmem:s24], $0x400  }
0xab: {  	_ =	swait.ge @!p0 [sflag:s6], $0x400  }
0xac: {  	[sflag:s6] =	ssyncset.done @!p0 $0x0  }
0xad: {  	s0 =	rddreg [dreg:$0x5];
	[sflag:s6] =	ssyncadd.s32 @!p0 $0xFFFFFC00  }
0xae: {  	[tilespmem:s5], [sflag:$0x1] =	stream.linear.gather [hbm4b:s0+s2], $0x80, $0x38;
	[tilespmem:$0x18800] =	vst v63  }
0xaf: {  	s31 =	rddreg [dreg:$0x6]  }
0xb0: {  	[tilespmem:s2], [sflag:$0x1] =	stream.linear.gather [hbm4b:s31+s2], $0x4000, $0x38;
	[tilespmem:$0x18800] =	vst v63  }
0xb1: {  	s0 =	rddreg [dreg:$0x7]  }
0xb2: {  	[tilespmem:s3], [sflag:$0x2] =	stream.linear.gather [hbm4b:s0+s2], $0x80, $0x38;
	[tilespmem:$0x18800] =	vst v63  }
0xb3: {  	s31 =	rddreg [dreg:$0x8]  }
0xb4: {  	[tilespmem:s4], [sflag:$0x2] =	stream.linear.gather [hbm4b:s31+s2], $0x4000, $0x38;
	[tilespmem:$0x18800] =	vst v63  }
0xb5: {  	s0 =	rddreg [dreg:$0x9];
	s31 =	simm.s32 $0x18100  }
0xb6: {  	[tilespmem:s31], [sflag:$0x3] =	stream.linear.gather [hbm4b:s0+s2], $0x80, $0x38;
	[tilespmem:$0x18800] =	vst v63  }
0xb7: {  	s6 =	rddreg [dreg:$0xa]  }
0xb8: {  	[tilespmem:s7], [sflag:$0x3] =	stream.linear.gather [hbm4b:s6+s2], $0x4000, $0x38;
	[tilespmem:$0x18800] =	vst v63  }
0xb9: {  	s0 =	rddreg [dreg:$0xb]  }
0xba: {  	[tilespmem:s8], [sflag:$0x4] =	stream.linear.gather [hbm4b:s0+s2], $0x80, $0x38;
	[tilespmem:$0x18800] =	vst v63  }
0xbb: {  	s6 =	rddreg [dreg:$0xc]  }
0xbc: {  	[tilespmem:s9], [sflag:$0x4] =	stream.linear.gather [hbm4b:s6+s2], $0x4000, $0x38;
	[tilespmem:$0x18800] =	vst v63  }
0xbd: {  	s0 =	rddreg [dreg:$0xd]  }
0xbe: {  	[tilespmem:s10], [sflag:$0x5] =	stream.linear.gather [hbm4b:s0+s2], $0x80, $0x38;
	[tilespmem:$0x18800] =	vst v63  }
0xbf: {  	s6 =	rddreg [dreg:$0xe]  }
0xc0: {  	[tilespmem:s11], [sflag:$0x5] =	stream.linear.gather [hbm4b:s6+s2], $0x4000, $0x38;
	[tilespmem:$0x18800] =	vst v63  }
0xc1: {  	s0 =	rddreg [dreg:$0xf]  }
0xc2: {  	[tilespmem:s12], [sflag:$0x6] =	stream.linear.gather [hbm4b:s0+s2], $0x80, $0x38;
	[tilespmem:$0x18800] =	vst v63  }
0xc3: {  	s6 =	rddreg [dreg:$0x10]  }
0xc4: {  	[tilespmem:s13], [sflag:$0x6] =	stream.linear.gather [hbm4b:s6+s2], $0x4000, $0x38;
	[tilespmem:$0x18800] =	vst v63  }
0xc5: {  	[tilespmem:$0x185F0] =	vst v0  }
0xc6: {  	[tilespmem:$0x185E0] =	vst v0  }
0xc7: {  	[tilespmem:$0x185D0] =	vst v0  }
0xc8: {  	[tilespmem:$0x185C0] =	vst v0  }
0xc9: {  	[tilespmem:$0x185B0] =	vst v0  }
0xca: {  	[tilespmem:$0x185A0] =	vst v0  }
0xcb: {  	[tilespmem:$0x18590] =	vst v0  }
0xcc: {  	[tilespmem:$0x18580] =	vst v0  }
0xcd: {  	[tilespmem:$0x18570] =	vst v0  }
0xce: {  	[tilespmem:$0x18560] =	vst v0  }
0xcf: {  	[tilespmem:$0x18550] =	vst v0  }
0xd0: {  	[tilespmem:$0x18540] =	vst v0  }
0xd1: {  	[tilespmem:$0x18530] =	vst v0  }
0xd2: {  	[tilespmem:$0x18520] =	vst v0  }
0xd3: {  	[tilespmem:$0x18510] =	vst v0  }
0xd4: {  	[tilespmem:$0x18500] =	vst v0  }
0xd5: {  	[tilespmem:$0x184F0] =	vst v0  }
0xd6: {  	[tilespmem:$0x184E0] =	vst v0  }
0xd7: {  	[tilespmem:$0x184D0] =	vst v0  }
0xd8: {  	[tilespmem:$0x184C0] =	vst v0  }
0xd9: {  	[tilespmem:$0x184B0] =	vst v0  }
0xda: {  	[tilespmem:$0x184A0] =	vst v0  }
0xdb: {  	[tilespmem:$0x18490] =	vst v0  }
0xdc: {  	[tilespmem:$0x18480] =	vst v0  }
0xdd: {  	[tilespmem:$0x18470] =	vst v0  }
0xde: {  	[tilespmem:$0x18460] =	vst v0  }
0xdf: {  	[tilespmem:$0x18450] =	vst v0  }
0xe0: {  	[tilespmem:$0x18440] =	vst v0  }
0xe1: {  	[tilespmem:$0x18430] =	vst v0  }
0xe2: {  	[tilespmem:$0x18420] =	vst v0  }
0xe3: {  	s0 =	rddreg [dreg:$0x17];
	[tilespmem:$0x18400] =	vst v0  }
0xe4: {  	s6 =	rddreg [dreg:$0x11];
	[tilespmem:$0x18410] =	vst v0  }
0xe5: {  	[spmem:s6] =	stream.linear.scatter [tilespmem:s0], [sflag:$0xD], $0x200, $0x38;
	[tilespmem:$0x18800] =	vst v63  }
0xe6: {  	_ =	swait.ge [sflag:s17], $0x200  }
0xe7: {  	[sflag:s17] =	ssyncset.done $0x0  }
0xe8: {  	[sflag:s17] =	ssyncadd.s32 $0xFFFFFE00  }
0xe9: {  	[bflag:$0x0] =	sbarrier.arrive $0xFFFF  }
0xea: {  	_ =	swait.ge [sflag:s16], $0x80  }
0xeb: {  	[sflag:s16] =	ssyncset.done $0x0  }
0xec: {  	[sflag:s16] =	ssyncadd.s32 $0xFFFFFF80  }
0xed: {  	_ =	swait.ge [sflag:s16], $0x4000  }
0xee: {  	[sflag:s16] =	ssyncset.done $0x0  }
0xef: {  	[sflag:s16] =	ssyncadd.s32 $0xFFFFC000  }
0xf0: {  	[spmem:s1] =	stream.indirect.scatter.add.f32 [tilespmem:s2], [sflag:$0x7], $0x80, s5, s14, $0xb8;
	[tilespmem:$0x18800] =	vst v63  }
0xf1: {  	_ =	swait.ge [sflag:s15], $0x80  }
0xf2: {  	[sflag:s15] =	ssyncset.done $0x0  }
0xf3: {  	[sflag:s15] =	ssyncadd.s32 $0xFFFFFF80  }
0xf4: {  	_ =	swait.ge [sflag:s15], $0x4000  }
0xf5: {  	[sflag:s15] =	ssyncset.done $0x0  }
0xf6: {  	[sflag:s15] =	ssyncadd.s32 $0xFFFFC000  }
0xf7: {  	[spmem:s1] =	stream.indirect.scatter.add.f32 [tilespmem:s4], [sflag:$0x8], $0x80, s3, s14, $0xb8;
	[tilespmem:$0x18800] =	vst v63  }
0xf8: {  	_ =	swait.ge [sflag:s18], $0x4000  }
0xf9: {  	[sflag:s18] =	ssyncset.done $0x0  }
0xfa: {  	s0 =	rddreg [dreg:$0x12];
	[sflag:s18] =	ssyncadd.s32 $0xFFFFC000  }
0xfb: {  	[tilespmem:s5], [sflag:$0x1] =	stream.linear.gather [hbm4b:s0+s2], $0x80, $0x38;
	[tilespmem:$0x18800] =	vst v63  }
0xfc: {  	s6 =	rddreg [dreg:$0x13]  }
0xfd: {  	[tilespmem:s2], [sflag:$0x1] =	stream.linear.gather [hbm4b:s6+s2], $0x4000, $0x38;
	[tilespmem:$0x18800] =	vst v63  }
0xfe: {  	_ =	swait.ge [sflag:s20], $0x80  }
0xff: {  	[sflag:s20] =	ssyncset.done $0x0  }
0x100: {  	[sflag:s20] =	ssyncadd.s32 $0xFFFFFF80  }
0x101: {  	_ =	swait.ge [sflag:s20], $0x4000  }
0x102: {  	[sflag:s20] =	ssyncset.done $0x0  }
0x103: {  	[sflag:s20] =	ssyncadd.s32 $0xFFFFC000  }
0x104: {  	[spmem:s1] =	stream.indirect.scatter.add.f32 [tilespmem:s7], [sflag:$0x9], $0x80, s31, s14, $0xb8;
	[tilespmem:$0x18800] =	vst v63  }
0x105: {  	_ =	swait.ge [sflag:s19], $0x4000  }
0x106: {  	[sflag:s19] =	ssyncset.done $0x0  }
0x107: {  	s6 =	rddreg [dreg:$0x14];
	[sflag:s19] =	ssyncadd.s32 $0xFFFFC000  }
0x108: {  	[tilespmem:s3], [sflag:$0x2] =	stream.linear.gather [hbm4b:s6+s2], $0x80, $0x38;
	[tilespmem:$0x18800] =	vst v63  }
0x109: {  	s31 =	rddreg [dreg:$0x15]  }
0x10a: {  	[tilespmem:s4], [sflag:$0x2] =	stream.linear.gather [hbm4b:s31+s2], $0x4000, $0x38;
	[tilespmem:$0x18800] =	vst v63  }
0x10b: {  	_ =	swait.ge [sflag:s21], $0x80  }
0x10c: {  	[sflag:s21] =	ssyncset.done $0x0  }
0x10d: {  	[sflag:s21] =	ssyncadd.s32 $0xFFFFFF80  }
0x10e: {  	_ =	swait.ge [sflag:s21], $0x4000  }
0x10f: {  	[sflag:s21] =	ssyncset.done $0x0  }
0x110: {  	[sflag:s21] =	ssyncadd.s32 $0xFFFFC000  }
0x111: {  	[spmem:s1] =	stream.indirect.scatter.add.f32 [tilespmem:s9], [sflag:$0xA], $0x80, s8, s14, $0xb8;
	[tilespmem:$0x18800] =	vst v63  }
0x112: {  	_ =	swait.ge [sflag:s22], $0x4000  }
0x113: {  	[sflag:s22] =	ssyncset.done $0x0  }
0x114: {  	[sflag:s22] =	ssyncadd.s32 $0xFFFFC000  }
0x115: {  	_ =	swait.ge [sflag:s23], $0x80  }
0x116: {  	[sflag:s23] =	ssyncset.done $0x0  }
0x117: {  	[sflag:s23] =	ssyncadd.s32 $0xFFFFFF80  }
0x118: {  	_ =	swait.ge [sflag:s23], $0x4000  }
0x119: {  	[sflag:s23] =	ssyncset.done $0x0  }
0x11a: {  	[sflag:s23] =	ssyncadd.s32 $0xFFFFC000  }
0x11b: {  	[spmem:s1] =	stream.indirect.scatter.add.f32 [tilespmem:s11], [sflag:$0xB], $0x80, s10, s14, $0xb8;
	[tilespmem:$0x18800] =	vst v63  }
0x11c: {  	_ =	swait.ge [sflag:s25], $0x4000  }
0x11d: {  	[sflag:s25] =	ssyncset.done $0x0  }
0x11e: {  	[sflag:s25] =	ssyncadd.s32 $0xFFFFC000  }
0x11f: {  	_ =	swait.ge [sflag:s26], $0x80  }
0x120: {  	[sflag:s26] =	ssyncset.done $0x0  }
0x121: {  	s30 =	sadd.s32 $0xFFFFFFFF, s30;
	[sflag:s26] =	ssyncadd.s32 $0xFFFFFF80  }
0x122: {  	p1 =	sne.s32 s30, $0x0;
	_ =	swait.ge [sflag:s26], $0x4000  }
.Ltmp1:
0x123: {  	[sflag:s26] =	ssyncset.done $0x0;
	(pc) =	sbr.rel @p1 .LBB2_1-.Ltmp1, $4  }
0x124: {  	[sflag:s26] =	ssyncadd.s32 $0xFFFFC000  }
0x125: {  	[spmem:s1] =	stream.indirect.scatter.add.f32 [tilespmem:s13], [sflag:$0xC], $0x80, s12, s14, $0xb8;
	[tilespmem:$0x18800] =	vst v63  }
0x126: {  	_ =	swait.ge [sflag:s29], $0x4000  }
0x127: {  	[sflag:s29] =	ssyncset.done $0x0  }
.LBB2_2:
0x128: {  	[sflag:s29] =	ssyncadd.s32 $0xFFFFC000  }
0x129: {  	_ =	swait.ge [sflag:s16], $0x80  }
0x12a: {  	[sflag:s16] =	ssyncset.done $0x0  }
0x12b: {  	[sflag:s16] =	ssyncadd.s32 $0xFFFFFF80  }
0x12c: {  	_ =	swait.ge [sflag:s16], $0x4000  }
0x12d: {  	[sflag:s16] =	ssyncset.done $0x0  }
0x12e: {  	[sflag:s16] =	ssyncadd.s32 $0xFFFFC000  }
0x12f: {  	[spmem:s1] =	stream.indirect.scatter.add.f32 [tilespmem:s2], [sflag:$0x7], $0x80, s5, s14, $0xb8;
	[tilespmem:$0x18800] =	vst v63  }
0x130: {  	_ =	swait.ge [sflag:s28], $0x4000  }
0x131: {  	[sflag:s28] =	ssyncset.done $0x0  }
0x132: {  	[sflag:s28] =	ssyncadd.s32 $0xFFFFC000  }
0x133: {  	_ =	swait.ge [sflag:s15], $0x80  }
0x134: {  	[sflag:s15] =	ssyncset.done $0x0  }
0x135: {  	[sflag:s15] =	ssyncadd.s32 $0xFFFFFF80  }
0x136: {  	_ =	swait.ge [sflag:s15], $0x4000  }
0x137: {  	[sflag:s15] =	ssyncset.done $0x0  }
0x138: {  	[sflag:s15] =	ssyncadd.s32 $0xFFFFC000  }
0x139: {  	[spmem:s1] =	stream.indirect.scatter.add.f32 [tilespmem:s4], [sflag:$0x8], $0x80, s3, s14, $0xb8;
	[tilespmem:$0x18800] =	vst v63  }
0x13a: {  	_ =	swait.ge [sflag:s18], $0x4000  }
0x13b: {  	[sflag:s18] =	ssyncset.done $0x0  }
0x13c: {  	[sflag:s18] =	ssyncadd.s32 $0xFFFFC000  }
0x13d: {  	_ =	swait.ge [sflag:s19], $0x4000  }
0x13e: {  	[sflag:s19] =	ssyncset.done $0x0  }
0x13f: {  	[sflag:s19] =	ssyncadd.s32 $0xFFFFC000  }
0x140: {  	[bflag:$0x0] =	sbarrier.arrive $0xFFFF  }
0x141: {  	s2 =	simm.s32 @!p0 $0xD;
	s1 =	simm.s32 @!p0 $0x1C0D;
	s0 =	rddreg [dreg:$0x16]  }
0x142: {  	[hbm:s0], [sflag:s1] =	dma.local @!p0 [spmem:s24], $0x400  }
0x143: {  	_ =	swait.ge @!p0 [sflag:s2], $0x400  }
0x144: {  	[sflag:s2] =	ssyncset.done @!p0 $0x0  }
0x145: {  	[sflag:s2] =	ssyncadd.s32 @!p0 $0xFFFFFC00  }
0x146: {  	_ =	sfence.sel $0x180000  }
0x147: {  	[bflag:$0x0] =	sbarrier.arrive $0xFFFF  }
0x148: {  	_ =	strace $0x90000047  }
0x149: {  	[bflag:$0x2] =	sbarrier.arrive $0xFFFF  }
0x14a: {  	s0 =	rddreg [dreg:$0x4]  }
0x14b: {  	s0 =	sadd.s32 @!p0 $0x100000, s0  }
0x14c: {  	[sflag:s0] =	ssyncadd.tile.s32 @!p0 $0x1;
	_ =	shalt  }
.Lfunc_end2:
_tile_overlayer_lowered:
.L_overlay_start_2:
0x14d: {  	(tag) =	ssettag $0x2  }
0x14e: {  	s0 =	rddreg [dreg:$0x0];
	s2 =	stileid.u32  }
0x14f: {  	s1 =	rddreg [dreg:$0x1];
	p0 =	sne.s32 s2, $0x0  }
0x150: {  	s3 =	rddreg [dreg:$0x2];
	[bflag:$0x3] =	sbarrier.arrive $0xFFFF;
	s2 =	simm.s32 @!p0 $0x1C0D  }
0x151: {  	[timem:s3], [sflag:s2] =	dma.local @!p0 [hbm:s0], s1  }
0x152: {  	s0 =	simm.s32 @!p0 $0xD  }
0x153: {  	_ =	swait.ge @!p0 [sflag:s0], s1  }
0x154: {  	s1 =	ssub.s32 @!p0 $0x0, s1;
	[sflag:s0] =	ssyncset.done @!p0 $0x0  }
0x155: {  	[sflag:s0] =	ssyncadd.s32 @!p0 s1  }
0x156: {  	[bflag:$0x3] =	sbarrier.arrive $0xFFFF  }
0x157: {  	_ =	shalt  }

</sc_bundles>
